<compile_context>
chip_gen: v7x
topology: tpu7x:2x2x1
jax: 0.10.2.dev20260603
libtpu: 0.0.44.dev20260713+nightly
codegen_flags: <defaults>
</compile_context>

<pallas_src>
import jax
import jax.numpy as jnp
from jax import lax
from jax.experimental import pallas as pl
from jax.experimental.pallas import tpu as pltpu
from jax.experimental.pallas import tpu_sc as plsc

E = 160000
N = 10000
EMB = 128
G = 8

NC = 2
NS = 16
L = 16

STRIPE = E // NS
WAVE = 80
NWAVES = STRIPE // WAVE
NPT = N // NS
ZCHUNK = 125
PASSES = 8 // NC
AW = 160


def _sc_body(vec_hbm, xt_hbm, dst_hbm, acc_out,
             dstv, vecv, xb, pb, zb, acc, sx0, sx1, ss0, ss1):
    sx = (sx0, sx1)
    ss = (ss0, ss1)
    c = lax.axis_index("c")
    s = lax.axis_index("s")
    f32, i32 = jnp.float32, jnp.int32
    iota = lax.iota(i32, L)
    zeros32b = jnp.zeros((2 * L,), jnp.bfloat16)
    cpat = 1.0 - jnp.minimum(iota.astype(f32), 1.0)

    pltpu.sync_copy(dst_hbm.at[s], dstv)
    pltpu.sync_copy(vec_hbm.at[pl.ds(s * STRIPE * 3, STRIPE * 3)], vecv)

    def zinit(i, _):
        for q in range(AW // (2 * L)):
            zb[i, pl.ds(q * 2 * L, 2 * L)] = zeros32b
        return 0
    lax.fori_loop(0, ZCHUNK, zinit, 0)

    def pass_body(p, _):
        sl = c * PASSES + p
        ind = (1 - jnp.minimum(p, 1)).astype(f32)
        cntv = cpat * ind

        for z in range(NPT // ZCHUNK):
            r0 = s * NPT + z * ZCHUNK
            pltpu.sync_copy(zb, acc.at[pl.ds(r0, ZCHUNK)])
        plsc.subcore_barrier()

        def xref(g):
            xoff = sl * (E * L) + (s * STRIPE + g * WAVE) * L
            return xt_hbm.at[pl.ds(xoff, WAVE * L)]

        def compute_payload(b, g):
            e0 = g * WAVE

            def edge_body(r, _):
                xrow = xb[b, pl.ds(r * L, L)]
                eb = (e0 + r) * 3
                vx = plsc.load_gather(vecv, [jnp.full((L,), 0, i32) + eb])
                vy = plsc.load_gather(vecv, [jnp.full((L,), 1, i32) + eb])
                vz = plsc.load_gather(vecv, [jnp.full((L,), 2, i32) + eb])
                o9 = (vx * vx, vx * vy, vx * vz,
                      vy * vx, vy * vy, vy * vz,
                      vz * vx, vz * vy, vz * vz)
                for q in range(4):
                    pb[b, r, pl.ds(q * 2 * L, 2 * L)] = plsc.pack(
                        o9[2 * q] * xrow, o9[2 * q + 1] * xrow,
                        format=plsc.PackFormat.INTERLEAVED)
                pb[b, r, pl.ds(8 * L, 2 * L)] = plsc.pack(
                    o9[8] * xrow, cntv,
                    format=plsc.PackFormat.INTERLEAVED)
                return 0
            lax.fori_loop(0, WAVE, edge_body, 0)

        pltpu.async_copy(xref(0), xb.at[0], sx[0])

        def pair_body(i, _):
            for b in range(2):
                g = i * 2 + b
                pltpu.async_copy(xref(g + 1), xb.at[1 - b], sx[1 - b])
                pltpu.make_async_copy(xref(g), xb.at[b], sx[b]).wait()

                @pl.when(i >= 1)
                def _():
                    pltpu.make_async_copy(
                        pb.at[b], acc.at[dstv.at[g]], ss[b]).wait()
                compute_payload(b, g)
                pltpu.async_copy(pb.at[b], acc.at[dstv.at[g]], ss[b],
                                 add=True)
            return 0
        lax.fori_loop(0, (NWAVES - 1) // 2, pair_body, 0)

        gl = NWAVES - 1
        pltpu.make_async_copy(xref(gl), xb.at[0], sx[0]).wait()
        pltpu.make_async_copy(pb.at[0], acc.at[dstv.at[gl]], ss[0]).wait()
        compute_payload(0, gl)
        pltpu.async_copy(pb.at[0], acc.at[dstv.at[gl]], ss[0], add=True)
        pltpu.make_async_copy(pb.at[0], acc.at[dstv.at[gl]], ss[0]).wait()
        pltpu.make_async_copy(pb.at[1], acc.at[dstv.at[gl]], ss[1]).wait()

        plsc.subcore_barrier()
        n0 = s * NPT
        pltpu.sync_copy(acc.at[pl.ds(n0, NPT)],
                        acc_out.at[pl.ds(sl * N + n0, NPT)])
        return 0
    lax.fori_loop(0, PASSES, pass_body, 0)


def _sc_scatter(vecf, xt, dst3):
    mesh = plsc.VectorSubcoreMesh(core_axis_name="c", subcore_axis_name="s",
                                  num_cores=NC, num_subcores=NS)
    f = pl.kernel(
        _sc_body,
        out_type=[
            jax.ShapeDtypeStruct((8 * N, AW), jnp.bfloat16),
        ],
        mesh=mesh,
        compiler_params=pltpu.CompilerParams(
            use_tc_tiling_on_sc=False, needs_layout_passes=False),
        scratch_types=[
            pltpu.VMEM((NWAVES, WAVE), jnp.int32),
            pltpu.VMEM((STRIPE * 3,), jnp.float32),
            pltpu.VMEM((2, WAVE * L), jnp.float32),
            pltpu.VMEM((2, WAVE, AW), jnp.bfloat16),
            pltpu.VMEM((ZCHUNK, AW), jnp.bfloat16),
            pltpu.VMEM_SHARED((N, AW), jnp.bfloat16),
            pltpu.SemaphoreType.DMA,
            pltpu.SemaphoreType.DMA,
            pltpu.SemaphoreType.DMA,
            pltpu.SemaphoreType.DMA,
        ],
    )
    return f(vecf, xt, dst3)


def _tc_body(acc_ref, batch_ref, w1_ref, b1_ref, w2_ref, b2_ref,
             out_ref, sums, cnts):
    i = pl.program_id(0)
    nsteps = pl.num_programs(0)
    f32 = jnp.float32

    @pl.when(i == 0)
    def _():
        sums[...] = jnp.zeros_like(sums)
        cnts[...] = jnp.zeros_like(cnts)

    blk = acc_ref.shape[0]
    af = acc_ref[...].astype(f32)
    a = af[:, :9 * EMB].reshape(blk, 9, EMB)
    cnt = jnp.maximum(af[:, 9 * EMB], 1.0)
    a = a * (1.0 / cnt)[:, None, None]
    h = jnp.dot(a.reshape(blk * 9, EMB), w1_ref[...],
                preferred_element_type=f32) + b1_ref[...]
    z = h * jax.nn.sigmoid(h)
    y3 = jnp.sum(z.reshape(blk, 9, EMB) * w2_ref[...].reshape(1, 1, EMB),
                 axis=2) + b2_ref[0, 0]
    b = batch_ref[...][:, 0]
    for g in range(G):
        m = (b == g).astype(f32)
        sums[g, :] = sums[g, :] + jnp.sum(y3 * m[:, None], axis=0)
        cnts[g, :] = cnts[g, :] + jnp.sum(m)

    @pl.when(i == nsteps - 1)
    def _():
        out_ref[...] = sums[...] / jnp.maximum(cnts[...], 1.0)


def _tc_finish(acc2b, batch2, W1, b1r, w2r, b2r):
    blk = 1000
    grid = N // blk
    return pl.pallas_call(
        _tc_body,
        grid=(grid,),
        in_specs=[
            pl.BlockSpec((blk, 10 * EMB), lambda i: (i, 0)),
            pl.BlockSpec((blk, 1), lambda i: (i, 0)),
            pl.BlockSpec((EMB, EMB), lambda i: (0, 0)),
            pl.BlockSpec((1, EMB), lambda i: (0, 0)),
            pl.BlockSpec((1, EMB), lambda i: (0, 0)),
            pl.BlockSpec((1, 1), lambda i: (0, 0)),
        ],
        out_specs=pl.BlockSpec((G, 9), lambda i: (0, 0)),
        out_shape=jax.ShapeDtypeStruct((G, 9), jnp.float32),
        scratch_shapes=[
            pltpu.VMEM((G, 9), jnp.float32),
            pltpu.VMEM((G, 9), jnp.float32),
        ],
    )(acc2b, batch2, W1, b1r, w2r, b2r)


def kernel(edge_distance_vec, x_edge, edge_index, batch, W1, b1, W2, b2):
    vecf = edge_distance_vec.reshape(-1)
    xt = x_edge.reshape(E, 8, L).transpose(1, 0, 2).reshape(-1)
    dst3 = edge_index[1].reshape(NS, NWAVES, WAVE)
    (acc_out,) = _sc_scatter(vecf, xt, dst3)

    acc2b = (acc_out.reshape(8, N, 5, L, 2)
             .transpose(1, 2, 4, 0, 3)
             .reshape(N, 10 * EMB))
    return _tc_finish(
        acc2b, batch.reshape(N, 1),
        W1, b1.reshape(1, EMB), W2.reshape(1, EMB), b2.reshape(1, 1))

# --- scband reference (transcript-rebuilt; emitter-appended) ---
"""Pipeline reference for scband-rank2-symmetric-tensor-head-35416300323174 (READ-ONLY COPY).

The authoritative reference and input builder live on the scoring server;
editing this copy changes nothing except your own understanding.
"""

import jax, jax.numpy as jnp
import numpy as np

N_NODES = 10000
N_EDGES = 160000
EMB = 128
N_GRAPHS = 8


def setup_inputs(seed: int = 0) -> dict:
    key = jax.random.key(seed)
    k1, k2, k3, k4, k5, k6 = jax.random.split(key, 6)
    edge_distance_vec = jax.random.normal(k1, (N_EDGES, 3), dtype=jnp.float32)
    x_edge = jax.random.normal(k2, (N_EDGES, EMB), dtype=jnp.float32)
    edge_index = jax.random.randint(k3, (2, N_EDGES), 0, N_NODES, dtype=jnp.int32)
    batch = jnp.sort(jax.random.randint(k4, (N_NODES,), 0, N_GRAPHS, dtype=jnp.int32))
    # MLP params: Linear(EMB, EMB) -> SiLU -> Linear(EMB, 1), stored as [in, out]
    W1 = jax.random.normal(k5, (EMB, EMB), dtype=jnp.float32) * (1.0 / np.sqrt(EMB))
    b1 = jnp.zeros((EMB,), dtype=jnp.float32)
    W2 = jax.random.normal(k6, (EMB, 1), dtype=jnp.float32) * (1.0 / np.sqrt(EMB))
    b2 = jnp.zeros((1,), dtype=jnp.float32)
    return {
        'edge_distance_vec': edge_distance_vec,
        'x_edge': x_edge,
        'edge_index': edge_index,
        'batch': batch,
        'W1': W1, 'b1': b1, 'W2': W2, 'b2': b2,
    }


def _segment_mean(data, seg_ids, num_segments):
    sums = jax.ops.segment_sum(data, seg_ids, num_segments=num_segments)
    cnt = jax.ops.segment_sum(jnp.ones((data.shape[0],), dtype=data.dtype), seg_ids, num_segments=num_segments)
    cnt = jnp.clip(cnt, 1.0, None)
    return sums / cnt.reshape((num_segments,) + (1,) * (data.ndim - 1))


def reference(edge_distance_vec, x_edge, edge_index, batch, W1, b1, W2, b2):
    # outer product of edge distance vectors: [E,3,3] -> [E,9]
    outer = (edge_distance_vec[:, :, None] * edge_distance_vec[:, None, :]).reshape(-1, 9)
    # edge-level outer features: [E, EMB, 9]
    edge_outer = x_edge[:, :, None] * outer[:, None, :]
    # scatter-mean over destination nodes (edge_level=False path)
    dst = edge_index[1]
    node_outer = _segment_mean(edge_outer, dst, N_NODES)  # [N, EMB, 9]
    node_outer = jnp.swapaxes(node_outer, 1, 2)           # [N, 9, EMB]
    # r2tensor MLP: Linear -> SiLU -> Linear(EMB,1)
    h = jax.nn.silu(node_outer @ W1 + b1)
    h = h @ W2 + b2                                        # [N, 9, 1]
    node_outer9 = h.reshape(-1, 9)
    # intensive pooling (extensive=False): mean per graph
    r2_tensor = _segment_mean(node_outer9, batch, N_GRAPHS)  # [B, 9]
    return r2_tensor

if __name__ == "__main__":
    import jax
    _d = setup_inputs()
    print(jax.jit(kernel)(*tuple(_d.values())))

</pallas_src>

<mosaic_0001>
#map = affine_map<(d0, d1) -> (0)>
#map1 = affine_map<(d0, d1) -> (0, 0, 0)>
#map2 = affine_map<(d0, d1) -> (0, 0)>
module attributes {stable_mosaic.version = 14 : i64} {
  func.func @_sc_body(%arg0: i32, %arg1: i32, %arg2: memref<480000xf32, #tpu.memory_space<hbm>>, %arg3: memref<20480000xf32, #tpu.memory_space<hbm>>, %arg4: memref<16x125x80xi32, #tpu.memory_space<hbm>>, %arg5: memref<80000x160xbf16, #tpu.memory_space<hbm>>, %arg6: memref<125x80xi32, #tpu.memory_space<vmem>>, %arg7: memref<30000xf32, #tpu.memory_space<vmem>>, %arg8: memref<2x1280xf32, #tpu.memory_space<vmem>>, %arg9: memref<2x80x160xbf16, #tpu.memory_space<vmem>>, %arg10: memref<125x160xbf16, #tpu.memory_space<vmem>>, %arg11: memref<10000x160xbf16, #tpu.memory_space<vmem_shared>>, %arg12: memref<!tpu.dma_semaphore, #tpu.memory_space<semaphore_mem>>, %arg13: memref<!tpu.dma_semaphore, #tpu.memory_space<semaphore_mem>>, %arg14: memref<!tpu.dma_semaphore, #tpu.memory_space<semaphore_mem>>, %arg15: memref<!tpu.dma_semaphore, #tpu.memory_space<semaphore_mem>>) attributes {dimension_semantics = [#tpu.dimension_semantics<core_parallel>, #tpu.dimension_semantics<subcore_parallel>], iteration_bounds = array<i64: 2, 16>, scalar_prefetch = 0 : i64, scratch_operands = 10 : i64, tpu.core_type = #tpu.core_type<sc_vector_subcore>, window_params = [{transform_indices = #map}, {transform_indices = #map}, {transform_indices = #map1}, {transform_indices = #map2}]} {
    %iota3A = tpu.iota {dimensions = array<i32: 0>} : vector<16xi32>
    %broadcast_in_dim3A = arith.constant 0.000000e+00 : bf16
    %broadcast_in_dim3A_0 = vector.broadcast %broadcast_in_dim3A : bf16 to vector<32xbf16>
    %convert_element_type3A = arith.sitofp %iota3A : vector<16xi32> to vector<16xf32>
    %min3A = arith.constant 1.000000e+00 : f32
    %min3A_1 = vector.broadcast %min3A : f32 to vector<16xf32>
    %min3A_2 = arith.minimumf %convert_element_type3A, %min3A_1 : vector<16xf32>
    %sub3A = arith.constant 1.000000e+00 : f32
    %sub3A_3 = vector.broadcast %sub3A : f32 to vector<16xf32>
    %sub3A_4 = arith.subf %sub3A_3, %min3A_2 : vector<16xf32>
    "tpu.region"() ({
      %run_scoped3A = tpu.sem_alloc : memref<!tpu.dma_semaphore, #tpu.memory_space<semaphore_mem>>
      %dma_start3A = arith.constant 0 : i32
      %dma_start3A_21 = arith.constant 0 : i32
      %dma_start3A_22 = tpu.memref_slice %arg4[%arg1, %dma_start3A, %dma_start3A_21] : memref<16x125x80xi32, #tpu.memory_space<hbm>> -> memref<1x125x80xi32, #tpu.memory_space<hbm>>
      %dma_start3A_23 = tpu.memref_squeeze %dma_start3A_22 : memref<1x125x80xi32, #tpu.memory_space<hbm>> -> memref<125x80xi32, #tpu.memory_space<hbm>>
      %dma_start3A_24 = arith.constant 0 : i32
      %dma_start3A_25 = arith.constant 0 : i32
      %dma_start3A_26 = tpu.memref_slice %arg4[%arg1, %dma_start3A_24, %dma_start3A_25] : memref<16x125x80xi32, #tpu.memory_space<hbm>> -> memref<1x125x80xi32, #tpu.memory_space<hbm>>
      %dma_start3A_27 = tpu.memref_squeeze %dma_start3A_26 : memref<1x125x80xi32, #tpu.memory_space<hbm>> -> memref<125x80xi32, #tpu.memory_space<hbm>>
      tpu.enqueue_dma source(%dma_start3A_27 : memref<125x80xi32, #tpu.memory_space<hbm>>) target(%arg6 : memref<125x80xi32, #tpu.memory_space<vmem>>) target_semaphore(%run_scoped3A : memref<!tpu.dma_semaphore, #tpu.memory_space<semaphore_mem>>)
      %dma_wait3A = arith.constant 0 : i32
      %dma_wait3A_28 = arith.constant 0 : i32
      %dma_wait3A_29 = tpu.memref_slice %arg4[%arg1, %dma_wait3A, %dma_wait3A_28] : memref<16x125x80xi32, #tpu.memory_space<hbm>> -> memref<1x125x80xi32, #tpu.memory_space<hbm>>
      %dma_wait3A_30 = tpu.memref_squeeze %dma_wait3A_29 : memref<1x125x80xi32, #tpu.memory_space<hbm>> -> memref<125x80xi32, #tpu.memory_space<hbm>>
      %dma_wait3A_31 = arith.constant 0 : i32
      %dma_wait3A_32 = arith.constant 0 : i32
      %dma_wait3A_33 = tpu.memref_slice %arg4[%arg1, %dma_wait3A_31, %dma_wait3A_32] : memref<16x125x80xi32, #tpu.memory_space<hbm>> -> memref<1x125x80xi32, #tpu.memory_space<hbm>>
      %dma_wait3A_34 = tpu.memref_squeeze %dma_wait3A_33 : memref<1x125x80xi32, #tpu.memory_space<hbm>> -> memref<125x80xi32, #tpu.memory_space<hbm>>
      tpu.wait_dma2 semaphore(%run_scoped3A : memref<!tpu.dma_semaphore, #tpu.memory_space<semaphore_mem>>) src(%dma_wait3A_34 : memref<125x80xi32, #tpu.memory_space<hbm>>) dst(%arg6 : memref<125x80xi32, #tpu.memory_space<vmem>>)
      tpu.yield
    }) : () -> ()
    %mul3A = arith.constant 10000 : i32
    %mul3A_5 = arith.muli %arg1, %mul3A : i32
    %mul3A_6 = arith.constant 3 : i32
    %mul3A_7 = arith.muli %mul3A_5, %mul3A_6 : i32
    "tpu.region"() ({
      %run_scoped3A = tpu.sem_alloc : memref<!tpu.dma_semaphore, #tpu.memory_space<semaphore_mem>>
      %dma_start3A = tpu.memref_slice %arg2[%mul3A_7] : memref<480000xf32, #tpu.memory_space<hbm>> -> memref<30000xf32, #tpu.memory_space<hbm>>
      %dma_start3A_21 = tpu.memref_slice %arg2[%mul3A_7] : memref<480000xf32, #tpu.memory_space<hbm>> -> memref<30000xf32, #tpu.memory_space<hbm>>
      tpu.enqueue_dma source(%dma_start3A_21 : memref<30000xf32, #tpu.memory_space<hbm>>) target(%arg7 : memref<30000xf32, #tpu.memory_space<vmem>>) target_semaphore(%run_scoped3A : memref<!tpu.dma_semaphore, #tpu.memory_space<semaphore_mem>>)
      %dma_wait3A = tpu.memref_slice %arg2[%mul3A_7] : memref<480000xf32, #tpu.memory_space<hbm>> -> memref<30000xf32, #tpu.memory_space<hbm>>
      %dma_wait3A_22 = tpu.memref_slice %arg2[%mul3A_7] : memref<480000xf32, #tpu.memory_space<hbm>> -> memref<30000xf32, #tpu.memory_space<hbm>>
      tpu.wait_dma2 semaphore(%run_scoped3A : memref<!tpu.dma_semaphore, #tpu.memory_space<semaphore_mem>>) src(%dma_wait3A_22 : memref<30000xf32, #tpu.memory_space<hbm>>) dst(%arg7 : memref<30000xf32, #tpu.memory_space<vmem>>)
      tpu.yield
    }) : () -> ()
    %scan3A = arith.constant 0 : i32
    %scan3A_8 = arith.constant 0 : i32
    %scan3A_9 = arith.constant 125 : i32
    %scan3A_10 = arith.addi %scan3A_8, %scan3A_9 : i32
    %scan3A_11 = arith.constant 1 : i32
    %scan3A_12 = scf.for %scan3A_21 = %scan3A_8 to %scan3A_10 step %scan3A_11 iter_args(%scan3A_22 = %scan3A) -> (i32)  : i32 {
      %swap3A = arith.index_cast %scan3A_21 : i32 to index
      %swap3A_23 = arith.constant 0 : index
      %swap3A_24 = tpu.vector_load %arg10[%swap3A, %swap3A_23] {strides = array<i32>} : memref<125x160xbf16, #tpu.memory_space<vmem>>, vector<32xbf16>,
      tpu.vector_store %arg10[%swap3A, %swap3A_23], %broadcast_in_dim3A_0 {strides = array<i32>} : memref<125x160xbf16, #tpu.memory_space<vmem>>, vector<32xbf16>,
      %swap3A_25 = arith.index_cast %scan3A_21 : i32 to index
      %swap3A_26 = arith.constant 32 : index
      %swap3A_27 = tpu.vector_load %arg10[%swap3A_25, %swap3A_26] {strides = array<i32>} : memref<125x160xbf16, #tpu.memory_space<vmem>>, vector<32xbf16>,
      tpu.vector_store %arg10[%swap3A_25, %swap3A_26], %broadcast_in_dim3A_0 {strides = array<i32>} : memref<125x160xbf16, #tpu.memory_space<vmem>>, vector<32xbf16>,
      %swap3A_28 = arith.index_cast %scan3A_21 : i32 to index
      %swap3A_29 = arith.constant 64 : index
      %swap3A_30 = tpu.vector_load %arg10[%swap3A_28, %swap3A_29] {strides = array<i32>} : memref<125x160xbf16, #tpu.memory_space<vmem>>, vector<32xbf16>,
      tpu.vector_store %arg10[%swap3A_28, %swap3A_29], %broadcast_in_dim3A_0 {strides = array<i32>} : memref<125x160xbf16, #tpu.memory_space<vmem>>, vector<32xbf16>,
      %swap3A_31 = arith.index_cast %scan3A_21 : i32 to index
      %swap3A_32 = arith.constant 96 : index
      %swap3A_33 = tpu.vector_load %arg10[%swap3A_31, %swap3A_32] {strides = array<i32>} : memref<125x160xbf16, #tpu.memory_space<vmem>>, vector<32xbf16>,
      tpu.vector_store %arg10[%swap3A_31, %swap3A_32], %broadcast_in_dim3A_0 {strides = array<i32>} : memref<125x160xbf16, #tpu.memory_space<vmem>>, vector<32xbf16>,
      %swap3A_34 = arith.index_cast %scan3A_21 : i32 to index
      %swap3A_35 = arith.constant 128 : index
      %swap3A_36 = tpu.vector_load %arg10[%swap3A_34, %swap3A_35] {strides = array<i32>} : memref<125x160xbf16, #tpu.memory_space<vmem>>, vector<32xbf16>,
      tpu.vector_store %arg10[%swap3A_34, %swap3A_35], %broadcast_in_dim3A_0 {strides = array<i32>} : memref<125x160xbf16, #tpu.memory_space<vmem>>, vector<32xbf16>,
      %scan3A_37 = arith.constant 0 : i32
      scf.yield %scan3A_37 : i32
    }
    %scan3A_13 = arith.constant 125 : i32
    %scan3A_14 = arith.constant 0 : i32
    %scan3A_15 = arith.constant 0 : i32
    %scan3A_16 = arith.constant 4 : i32
    %scan3A_17 = arith.addi %scan3A_15, %scan3A_16 : i32
    %scan3A_18 = arith.constant 1 : i32
    %scan3A_19 = scf.for %scan3A_21 = %scan3A_15 to %scan3A_17 step %scan3A_18 iter_args(%scan3A_22 = %scan3A_14) -> (i32)  : i32 {
      %mul3A_23 = arith.constant 4 : i32
      %mul3A_24 = arith.muli %arg0, %mul3A_23 : i32
      %add3A = arith.addi %mul3A_24, %scan3A_21 : i32
      %min3A_25 = arith.constant 1 : i32
      %min3A_26 = arith.minsi %scan3A_21, %min3A_25 : i32
      %sub3A_27 = arith.constant 1 : i32
      %sub3A_28 = arith.subi %sub3A_27, %min3A_26 : i32
      %convert_element_type3A_29 = arith.sitofp %sub3A_28 : i32 to f32
      %mul3A_30 = vector.broadcast %convert_element_type3A_29 : f32 to vector<16xf32>
      %mul3A_31 = arith.mulf %sub3A_4, %mul3A_30 : vector<16xf32>
      %mul3A_32 = arith.constant 625 : i32
      %mul3A_33 = arith.muli %arg1, %mul3A_32 : i32
      %add3A_34 = arith.constant 0 : i32
      %add3A_35 = arith.addi %mul3A_33, %add3A_34 : i32
      "tpu.region"() ({
        %run_scoped3A = tpu.sem_alloc : memref<!tpu.dma_semaphore, #tpu.memory_space<semaphore_mem>>
        %dma_start3A_155 = arith.constant 0 : i32
        %dma_start3A_156 = tpu.memref_slice %arg11[%add3A_35, %dma_start3A_155] : memref<10000x160xbf16, #tpu.memory_space<vmem_shared>> -> memref<125x160xbf16, #tpu.memory_space<vmem_shared>>
        %dma_start3A_157 = arith.constant 0 : i32
        %dma_start3A_158 = tpu.memref_slice %arg11[%add3A_35, %dma_start3A_157] : memref<10000x160xbf16, #tpu.memory_space<vmem_shared>> -> memref<125x160xbf16, #tpu.memory_space<vmem_shared>>
        tpu.enqueue_dma source(%arg10 : memref<125x160xbf16, #tpu.memory_space<vmem>>) target(%dma_start3A_158 : memref<125x160xbf16, #tpu.memory_space<vmem_shared>>) target_semaphore(%run_scoped3A : memref<!tpu.dma_semaphore, #tpu.memory_space<semaphore_mem>>)
        %dma_wait3A_159 = arith.constant 0 : i32
        %dma_wait3A_160 = tpu.memref_slice %arg11[%add3A_35, %dma_wait3A_159] : memref<10000x160xbf16, #tpu.memory_space<vmem_shared>> -> memref<125x160xbf16, #tpu.memory_space<vmem_shared>>
        %dma_wait3A_161 = arith.constant 0 : i32
        %dma_wait3A_162 = tpu.memref_slice %arg11[%add3A_35, %dma_wait3A_161] : memref<10000x160xbf16, #tpu.memory_space<vmem_shared>> -> memref<125x160xbf16, #tpu.memory_space<vmem_shared>>
        tpu.wait_dma2 semaphore(%run_scoped3A : memref<!tpu.dma_semaphore, #tpu.memory_space<semaphore_mem>>) src(%arg10 : memref<125x160xbf16, #tpu.memory_space<vmem>>) dst(%dma_wait3A_162 : memref<125x160xbf16, #tpu.memory_space<vmem_shared>>)
        tpu.yield
      }) : () -> ()
      %mul3A_36 = arith.constant 625 : i32
      %mul3A_37 = arith.muli %arg1, %mul3A_36 : i32
      %add3A_38 = arith.constant 125 : i32
      %add3A_39 = arith.addi %mul3A_37, %add3A_38 : i32
      "tpu.region"() ({
        %run_scoped3A = tpu.sem_alloc : memref<!tpu.dma_semaphore, #tpu.memory_space<semaphore_mem>>
        %dma_start3A_155 = arith.constant 0 : i32
        %dma_start3A_156 = tpu.memref_slice %arg11[%add3A_39, %dma_start3A_155] : memref<10000x160xbf16, #tpu.memory_space<vmem_shared>> -> memref<125x160xbf16, #tpu.memory_space<vmem_shared>>
        %dma_start3A_157 = arith.constant 0 : i32
        %dma_start3A_158 = tpu.memref_slice %arg11[%add3A_39, %dma_start3A_157] : memref<10000x160xbf16, #tpu.memory_space<vmem_shared>> -> memref<125x160xbf16, #tpu.memory_space<vmem_shared>>
        tpu.enqueue_dma source(%arg10 : memref<125x160xbf16, #tpu.memory_space<vmem>>) target(%dma_start3A_158 : memref<125x160xbf16, #tpu.memory_space<vmem_shared>>) target_semaphore(%run_scoped3A : memref<!tpu.dma_semaphore, #tpu.memory_space<semaphore_mem>>)
        %dma_wait3A_159 = arith.constant 0 : i32
        %dma_wait3A_160 = tpu.memref_slice %arg11[%add3A_39, %dma_wait3A_159] : memref<10000x160xbf16, #tpu.memory_space<vmem_shared>> -> memref<125x160xbf16, #tpu.memory_space<vmem_shared>>
        %dma_wait3A_161 = arith.constant 0 : i32
        %dma_wait3A_162 = tpu.memref_slice %arg11[%add3A_39, %dma_wait3A_161] : memref<10000x160xbf16, #tpu.memory_space<vmem_shared>> -> memref<125x160xbf16, #tpu.memory_space<vmem_shared>>
        tpu.wait_dma2 semaphore(%run_scoped3A : memref<!tpu.dma_semaphore, #tpu.memory_space<semaphore_mem>>) src(%arg10 : memref<125x160xbf16, #tpu.memory_space<vmem>>) dst(%dma_wait3A_162 : memref<125x160xbf16, #tpu.memory_space<vmem_shared>>)
        tpu.yield
      }) : () -> ()
      %mul3A_40 = arith.constant 625 : i32
      %mul3A_41 = arith.muli %arg1, %mul3A_40 : i32
      %add3A_42 = arith.constant 250 : i32
      %add3A_43 = arith.addi %mul3A_41, %add3A_42 : i32
      "tpu.region"() ({
        %run_scoped3A = tpu.sem_alloc : memref<!tpu.dma_semaphore, #tpu.memory_space<semaphore_mem>>
        %dma_start3A_155 = arith.constant 0 : i32
        %dma_start3A_156 = tpu.memref_slice %arg11[%add3A_43, %dma_start3A_155] : memref<10000x160xbf16, #tpu.memory_space<vmem_shared>> -> memref<125x160xbf16, #tpu.memory_space<vmem_shared>>
        %dma_start3A_157 = arith.constant 0 : i32
        %dma_start3A_158 = tpu.memref_slice %arg11[%add3A_43, %dma_start3A_157] : memref<10000x160xbf16, #tpu.memory_space<vmem_shared>> -> memref<125x160xbf16, #tpu.memory_space<vmem_shared>>
        tpu.enqueue_dma source(%arg10 : memref<125x160xbf16, #tpu.memory_space<vmem>>) target(%dma_start3A_158 : memref<125x160xbf16, #tpu.memory_space<vmem_shared>>) target_semaphore(%run_scoped3A : memref<!tpu.dma_semaphore, #tpu.memory_space<semaphore_mem>>)
        %dma_wait3A_159 = arith.constant 0 : i32
        %dma_wait3A_160 = tpu.memref_slice %arg11[%add3A_43, %dma_wait3A_159] : memref<10000x160xbf16, #tpu.memory_space<vmem_shared>> -> memref<125x160xbf16, #tpu.memory_space<vmem_shared>>
        %dma_wait3A_161 = arith.constant 0 : i32
        %dma_wait3A_162 = tpu.memref_slice %arg11[%add3A_43, %dma_wait3A_161] : memref<10000x160xbf16, #tpu.memory_space<vmem_shared>> -> memref<125x160xbf16, #tpu.memory_space<vmem_shared>>
        tpu.wait_dma2 semaphore(%run_scoped3A : memref<!tpu.dma_semaphore, #tpu.memory_space<semaphore_mem>>) src(%arg10 : memref<125x160xbf16, #tpu.memory_space<vmem>>) dst(%dma_wait3A_162 : memref<125x160xbf16, #tpu.memory_space<vmem_shared>>)
        tpu.yield
      }) : () -> ()
      %mul3A_44 = arith.constant 625 : i32
      %mul3A_45 = arith.muli %arg1, %mul3A_44 : i32
      %add3A_46 = arith.constant 375 : i32
      %add3A_47 = arith.addi %mul3A_45, %add3A_46 : i32
      "tpu.region"() ({
        %run_scoped3A = tpu.sem_alloc : memref<!tpu.dma_semaphore, #tpu.memory_space<semaphore_mem>>
        %dma_start3A_155 = arith.constant 0 : i32
        %dma_start3A_156 = tpu.memref_slice %arg11[%add3A_47, %dma_start3A_155] : memref<10000x160xbf16, #tpu.memory_space<vmem_shared>> -> memref<125x160xbf16, #tpu.memory_space<vmem_shared>>
        %dma_start3A_157 = arith.constant 0 : i32
        %dma_start3A_158 = tpu.memref_slice %arg11[%add3A_47, %dma_start3A_157] : memref<10000x160xbf16, #tpu.memory_space<vmem_shared>> -> memref<125x160xbf16, #tpu.memory_space<vmem_shared>>
        tpu.enqueue_dma source(%arg10 : memref<125x160xbf16, #tpu.memory_space<vmem>>) target(%dma_start3A_158 : memref<125x160xbf16, #tpu.memory_space<vmem_shared>>) target_semaphore(%run_scoped3A : memref<!tpu.dma_semaphore, #tpu.memory_space<semaphore_mem>>)
        %dma_wait3A_159 = arith.constant 0 : i32
        %dma_wait3A_160 = tpu.memref_slice %arg11[%add3A_47, %dma_wait3A_159] : memref<10000x160xbf16, #tpu.memory_space<vmem_shared>> -> memref<125x160xbf16, #tpu.memory_space<vmem_shared>>
        %dma_wait3A_161 = arith.constant 0 : i32
        %dma_wait3A_162 = tpu.memref_slice %arg11[%add3A_47, %dma_wait3A_161] : memref<10000x160xbf16, #tpu.memory_space<vmem_shared>> -> memref<125x160xbf16, #tpu.memory_space<vmem_shared>>
        tpu.wait_dma2 semaphore(%run_scoped3A : memref<!tpu.dma_semaphore, #tpu.memory_space<semaphore_mem>>) src(%arg10 : memref<125x160xbf16, #tpu.memory_space<vmem>>) dst(%dma_wait3A_162 : memref<125x160xbf16, #tpu.memory_space<vmem_shared>>)
        tpu.yield
      }) : () -> ()
      %mul3A_48 = arith.constant 625 : i32
      %mul3A_49 = arith.muli %arg1, %mul3A_48 : i32
      %add3A_50 = arith.constant 500 : i32
      %add3A_51 = arith.addi %mul3A_49, %add3A_50 : i32
      "tpu.region"() ({
        %run_scoped3A = tpu.sem_alloc : memref<!tpu.dma_semaphore, #tpu.memory_space<semaphore_mem>>
        %dma_start3A_155 = arith.constant 0 : i32
        %dma_start3A_156 = tpu.memref_slice %arg11[%add3A_51, %dma_start3A_155] : memref<10000x160xbf16, #tpu.memory_space<vmem_shared>> -> memref<125x160xbf16, #tpu.memory_space<vmem_shared>>
        %dma_start3A_157 = arith.constant 0 : i32
        %dma_start3A_158 = tpu.memref_slice %arg11[%add3A_51, %dma_start3A_157] : memref<10000x160xbf16, #tpu.memory_space<vmem_shared>> -> memref<125x160xbf16, #tpu.memory_space<vmem_shared>>
        tpu.enqueue_dma source(%arg10 : memref<125x160xbf16, #tpu.memory_space<vmem>>) target(%dma_start3A_158 : memref<125x160xbf16, #tpu.memory_space<vmem_shared>>) target_semaphore(%run_scoped3A : memref<!tpu.dma_semaphore, #tpu.memory_space<semaphore_mem>>)
        %dma_wait3A_159 = arith.constant 0 : i32
        %dma_wait3A_160 = tpu.memref_slice %arg11[%add3A_51, %dma_wait3A_159] : memref<10000x160xbf16, #tpu.memory_space<vmem_shared>> -> memref<125x160xbf16, #tpu.memory_space<vmem_shared>>
        %dma_wait3A_161 = arith.constant 0 : i32
        %dma_wait3A_162 = tpu.memref_slice %arg11[%add3A_51, %dma_wait3A_161] : memref<10000x160xbf16, #tpu.memory_space<vmem_shared>> -> memref<125x160xbf16, #tpu.memory_space<vmem_shared>>
        tpu.wait_dma2 semaphore(%run_scoped3A : memref<!tpu.dma_semaphore, #tpu.memory_space<semaphore_mem>>) src(%arg10 : memref<125x160xbf16, #tpu.memory_space<vmem>>) dst(%dma_wait3A_162 : memref<125x160xbf16, #tpu.memory_space<vmem_shared>>)
        tpu.yield
      }) : () -> ()
      %barrier3A = arith.constant 0 : index
      tpu.barrier barrier_id(%barrier3A)
      %mul3A_52 = arith.constant 2560000 : i32
      %mul3A_53 = arith.muli %add3A, %mul3A_52 : i32
      %mul3A_54 = arith.constant 10000 : i32
      %mul3A_55 = arith.muli %arg1, %mul3A_54 : i32
      %add3A_56 = arith.constant 0 : i32
      %add3A_57 = arith.addi %mul3A_55, %add3A_56 : i32
      %mul3A_58 = arith.constant 16 : i32
      %mul3A_59 = arith.muli %add3A_57, %mul3A_58 : i32
      %add3A_60 = arith.addi %mul3A_53, %mul3A_59 : i32
      %dma_start3A = arith.constant 0 : i32
      %dma_start3A_61 = arith.constant 0 : i32
      %dma_start3A_62 = tpu.memref_slice %arg8[%dma_start3A, %dma_start3A_61] : memref<2x1280xf32, #tpu.memory_space<vmem>> -> memref<1x1280xf32, #tpu.memory_space<vmem>>
      %dma_start3A_63 = tpu.memref_squeeze %dma_start3A_62 : memref<1x1280xf32, #tpu.memory_space<vmem>> -> memref<1280xf32, #tpu.memory_space<vmem>>
      %dma_start3A_64 = tpu.memref_slice %arg3[%add3A_60] : memref<20480000xf32, #tpu.memory_space<hbm>> -> memref<1280xf32, #tpu.memory_space<hbm>>
      %dma_start3A_65 = arith.constant 0 : i32
      %dma_start3A_66 = tpu.memref_slice %arg8[%dma_start3A, %dma_start3A_65] : memref<2x1280xf32, #tpu.memory_space<vmem>> -> memref<1x1280xf32, #tpu.memory_space<vmem>>
      %dma_start3A_67 = tpu.memref_squeeze %dma_start3A_66 : memref<1x1280xf32, #tpu.memory_space<vmem>> -> memref<1280xf32, #tpu.memory_space<vmem>>
      %dma_start3A_68 = tpu.memref_slice %arg3[%add3A_60] : memref<20480000xf32, #tpu.memory_space<hbm>> -> memref<1280xf32, #tpu.memory_space<hbm>>
      tpu.enqueue_dma source(%dma_start3A_68 : memref<1280xf32, #tpu.memory_space<hbm>>) target(%dma_start3A_67 : memref<1280xf32, #tpu.memory_space<vmem>>) target_semaphore(%arg12 : memref<!tpu.dma_semaphore, #tpu.memory_space<semaphore_mem>>)
      %scan3A_69 = arith.constant 0 : i32
      %scan3A_70 = arith.constant 0 : i32
      %scan3A_71 = arith.constant 62 : i32
      %scan3A_72 = arith.addi %scan3A_70, %scan3A_71 : i32
      %scan3A_73 = arith.constant 1 : i32
      %scan3A_74 = scf.for %scan3A_155 = %scan3A_70 to %scan3A_72 step %scan3A_73 iter_args(%scan3A_156 = %scan3A_69) -> (i32)  : i32 {
        %mul3A_157 = arith.constant 2 : i32
        %mul3A_158 = arith.muli %scan3A_155, %mul3A_157 : i32
        %add3A_159 = arith.constant 0 : i32
        %add3A_160 = arith.addi %mul3A_158, %add3A_159 : i32
        %add3A_161 = arith.constant 1 : i32
        %add3A_162 = arith.addi %add3A_160, %add3A_161 : i32
        %mul3A_163 = arith.constant 2560000 : i32
        %mul3A_164 = arith.muli %add3A, %mul3A_163 : i32
        %mul3A_165 = arith.constant 10000 : i32
        %mul3A_166 = arith.muli %arg1, %mul3A_165 : i32
        %mul3A_167 = arith.constant 80 : i32
        %mul3A_168 = arith.muli %add3A_162, %mul3A_167 : i32
        %add3A_169 = arith.addi %mul3A_166, %mul3A_168 : i32
        %mul3A_170 = arith.constant 16 : i32
        %mul3A_171 = arith.muli %add3A_169, %mul3A_170 : i32
        %add3A_172 = arith.addi %mul3A_164, %mul3A_171 : i32
        %dma_start3A_173 = arith.constant 1 : i32
        %dma_start3A_174 = arith.constant 0 : i32
        %dma_start3A_175 = tpu.memref_slice %arg8[%dma_start3A_173, %dma_start3A_174] : memref<2x1280xf32, #tpu.memory_space<vmem>> -> memref<1x1280xf32, #tpu.memory_space<vmem>>
        %dma_start3A_176 = tpu.memref_squeeze %dma_start3A_175 : memref<1x1280xf32, #tpu.memory_space<vmem>> -> memref<1280xf32, #tpu.memory_space<vmem>>
        %dma_start3A_177 = tpu.memref_slice %arg3[%add3A_172] : memref<20480000xf32, #tpu.memory_space<hbm>> -> memref<1280xf32, #tpu.memory_space<hbm>>
        %dma_start3A_178 = arith.constant 0 : i32
        %dma_start3A_179 = tpu.memref_slice %arg8[%dma_start3A_173, %dma_start3A_178] : memref<2x1280xf32, #tpu.memory_space<vmem>> -> memref<1x1280xf32, #tpu.memory_space<vmem>>
        %dma_start3A_180 = tpu.memref_squeeze %dma_start3A_179 : memref<1x1280xf32, #tpu.memory_space<vmem>> -> memref<1280xf32, #tpu.memory_space<vmem>>
        %dma_start3A_181 = tpu.memref_slice %arg3[%add3A_172] : memref<20480000xf32, #tpu.memory_space<hbm>> -> memref<1280xf32, #tpu.memory_space<hbm>>
        tpu.enqueue_dma source(%dma_start3A_181 : memref<1280xf32, #tpu.memory_space<hbm>>) target(%dma_start3A_180 : memref<1280xf32, #tpu.memory_space<vmem>>) target_semaphore(%arg13 : memref<!tpu.dma_semaphore, #tpu.memory_space<semaphore_mem>>)
        %mul3A_182 = arith.constant 2560000 : i32
        %mul3A_183 = arith.muli %add3A, %mul3A_182 : i32
        %mul3A_184 = arith.constant 10000 : i32
        %mul3A_185 = arith.muli %arg1, %mul3A_184 : i32
        %mul3A_186 = arith.constant 80 : i32
        %mul3A_187 = arith.muli %add3A_160, %mul3A_186 : i32
        %add3A_188 = arith.addi %mul3A_185, %mul3A_187 : i32
        %mul3A_189 = arith.constant 16 : i32
        %mul3A_190 = arith.muli %add3A_188, %mul3A_189 : i32
        %add3A_191 = arith.addi %mul3A_183, %mul3A_190 : i32
        %dma_wait3A_192 = arith.constant 0 : i32
        %dma_wait3A_193 = arith.constant 0 : i32
        %dma_wait3A_194 = tpu.memref_slice %arg8[%dma_wait3A_192, %dma_wait3A_193] : memref<2x1280xf32, #tpu.memory_space<vmem>> -> memref<1x1280xf32, #tpu.memory_space<vmem>>
        %dma_wait3A_195 = tpu.memref_squeeze %dma_wait3A_194 : memref<1x1280xf32, #tpu.memory_space<vmem>> -> memref<1280xf32, #tpu.memory_space<vmem>>
        %dma_wait3A_196 = tpu.memref_slice %arg3[%add3A_191] : memref<20480000xf32, #tpu.memory_space<hbm>> -> memref<1280xf32, #tpu.memory_space<hbm>>
        %dma_wait3A_197 = arith.constant 0 : i32
        %dma_wait3A_198 = tpu.memref_slice %arg8[%dma_wait3A_192, %dma_wait3A_197] : memref<2x1280xf32, #tpu.memory_space<vmem>> -> memref<1x1280xf32, #tpu.memory_space<vmem>>
        %dma_wait3A_199 = tpu.memref_squeeze %dma_wait3A_198 : memref<1x1280xf32, #tpu.memory_space<vmem>> -> memref<1280xf32, #tpu.memory_space<vmem>>
        %dma_wait3A_200 = tpu.memref_slice %arg3[%add3A_191] : memref<20480000xf32, #tpu.memory_space<hbm>> -> memref<1280xf32, #tpu.memory_space<hbm>>
        tpu.wait_dma2 semaphore(%arg12 : memref<!tpu.dma_semaphore, #tpu.memory_space<semaphore_mem>>) src(%dma_wait3A_200 : memref<1280xf32, #tpu.memory_space<hbm>>) dst(%dma_wait3A_199 : memref<1280xf32, #tpu.memory_space<vmem>>)
        %ge3A = arith.constant 1 : i32
        %ge3A_201 = arith.cmpi sge, %scan3A_155, %ge3A : i32
        %convert_element_type3A_202 = arith.extui %ge3A_201 : i1 to i32
        %cond3A = arith.constant 0 : i32
        %cond3A_203 = arith.cmpi ne, %convert_element_type3A_202, %cond3A : i32
        scf.if %cond3A_203 {
          %dma_wait3A_294 = arith.constant 0 : i32
          %dma_wait3A_295 = arith.constant 0 : i32
          %dma_wait3A_296 = arith.constant 0 : i32
          %dma_wait3A_297 = tpu.memref_slice %arg9[%dma_wait3A_294, %dma_wait3A_295, %dma_wait3A_296] : memref<2x80x160xbf16, #tpu.memory_space<vmem>> -> memref<1x80x160xbf16, #tpu.memory_space<vmem>>
          %dma_wait3A_298 = tpu.memref_squeeze %dma_wait3A_297 : memref<1x80x160xbf16, #tpu.memory_space<vmem>> -> memref<80x160xbf16, #tpu.memory_space<vmem>>
          %dma_wait3A_299 = arith.constant 0 : i32
          %dma_wait3A_300 = tpu.memref_slice %arg6[%add3A_160, %dma_wait3A_299] : memref<125x80xi32, #tpu.memory_space<vmem>> -> memref<1x80xi32, #tpu.memory_space<vmem>>
          %dma_wait3A_301 = tpu.memref_squeeze %dma_wait3A_300 : memref<1x80xi32, #tpu.memory_space<vmem>> -> memref<80xi32, #tpu.memory_space<vmem>>
          %dma_wait3A_302 = arith.constant 0 : i32
          %dma_wait3A_303 = arith.constant 0 : i32
          %dma_wait3A_304 = tpu.memref_slice %arg11[%dma_wait3A_302, %dma_wait3A_303] : memref<10000x160xbf16, #tpu.memory_space<vmem_shared>> -> memref<10000x160xbf16, #tpu.memory_space<vmem_shared>>
          tpu.wait_indirect_dma semaphore(%arg14 : memref<!tpu.dma_semaphore, #tpu.memory_space<semaphore_mem>>) src(%dma_wait3A_298 : memref<80x160xbf16, #tpu.memory_space<vmem>>) dst(%dma_wait3A_304 : memref<10000x160xbf16, #tpu.memory_space<vmem_shared>>)
        } else {
        }
        %mul3A_204 = arith.constant 80 : i32
        %mul3A_205 = arith.muli %add3A_160, %mul3A_204 : i32
        %scan3A_206 = arith.constant 0 : i32
        %scan3A_207 = arith.constant 0 : i32
        %scan3A_208 = arith.constant 80 : i32
        %scan3A_209 = arith.addi %scan3A_207, %scan3A_208 : i32
        %scan3A_210 = arith.constant 1 : i32
        %scan3A_211 = scf.for %scan3A_294 = %scan3A_207 to %scan3A_209 step %scan3A_210 iter_args(%scan3A_295 = %scan3A_206) -> (i32)  : i32 {
          %mul3A_296 = arith.constant 16 : i32
          %mul3A_297 = arith.muli %scan3A_294, %mul3A_296 : i32
          %get3A = arith.constant 0 : i32
          %get3A_298 = arith.index_cast %get3A : i32 to index
          %get3A_299 = arith.index_cast %mul3A_297 : i32 to index
          %get3A_300 = tpu.vector_load %arg8[%get3A_298, %get3A_299] {strides = array<i32>} : memref<2x1280xf32, #tpu.memory_space<vmem>>, vector<16xf32>,
          %add3A_301 = arith.addi %mul3A_205, %scan3A_294 : i32
          %mul3A_302 = arith.constant 3 : i32
          %mul3A_303 = arith.muli %add3A_301, %mul3A_302 : i32
          %broadcast_in_dim3A_304 = arith.constant 0 : i32
          %broadcast_in_dim3A_305 = vector.broadcast %broadcast_in_dim3A_304 : i32 to vector<16xi32>
          %add3A_306 = vector.broadcast %mul3A_303 : i32 to vector<16xi32>
          %add3A_307 = arith.addi %broadcast_in_dim3A_305, %add3A_306 : vector<16xi32>
          %gather3A = tpu.vector_load_idx %arg7[%add3A_307] : memref<30000xf32, #tpu.memory_space<vmem>>[vector<16xi32>], vector<16xf32>,
          %broadcast_in_dim3A_308 = arith.constant 1 : i32
          %broadcast_in_dim3A_309 = vector.broadcast %broadcast_in_dim3A_308 : i32 to vector<16xi32>
          %add3A_310 = vector.broadcast %mul3A_303 : i32 to vector<16xi32>
          %add3A_311 = arith.addi %broadcast_in_dim3A_309, %add3A_310 : vector<16xi32>
          %gather3A_312 = tpu.vector_load_idx %arg7[%add3A_311] : memref<30000xf32, #tpu.memory_space<vmem>>[vector<16xi32>], vector<16xf32>,
          %broadcast_in_dim3A_313 = arith.constant 2 : i32
          %broadcast_in_dim3A_314 = vector.broadcast %broadcast_in_dim3A_313 : i32 to vector<16xi32>
          %add3A_315 = vector.broadcast %mul3A_303 : i32 to vector<16xi32>
          %add3A_316 = arith.addi %broadcast_in_dim3A_314, %add3A_315 : vector<16xi32>
          %gather3A_317 = tpu.vector_load_idx %arg7[%add3A_316] : memref<30000xf32, #tpu.memory_space<vmem>>[vector<16xi32>], vector<16xf32>,
          %mul3A_318 = arith.mulf %gather3A, %gather3A : vector<16xf32>
          %mul3A_319 = arith.mulf %gather3A, %gather3A_312 : vector<16xf32>
          %mul3A_320 = arith.mulf %gather3A, %gather3A_317 : vector<16xf32>
          %mul3A_321 = arith.mulf %gather3A_312, %gather3A : vector<16xf32>
          %mul3A_322 = arith.mulf %gather3A_312, %gather3A_312 : vector<16xf32>
          %mul3A_323 = arith.mulf %gather3A_312, %gather3A_317 : vector<16xf32>
          %mul3A_324 = arith.mulf %gather3A_317, %gather3A : vector<16xf32>
          %mul3A_325 = arith.mulf %gather3A_317, %gather3A_312 : vector<16xf32>
          %mul3A_326 = arith.mulf %gather3A_317, %gather3A_317 : vector<16xf32>
          %mul3A_327 = arith.mulf %mul3A_318, %get3A_300 : vector<16xf32>
          %mul3A_328 = arith.mulf %mul3A_319, %get3A_300 : vector<16xf32>
          %pack3A = tpu.pack_subelements %mul3A_327, %mul3A_328 {pack_format = #tpu.pack_format<interleaved>, positions = array<i32: 0, 1>} : vector<16xf32>, vector<16xf32> -> vector<32xbf16>
          %swap3A = arith.constant 0 : i32
          %swap3A_329 = arith.index_cast %swap3A : i32 to index
          %swap3A_330 = arith.index_cast %scan3A_294 : i32 to index
          %swap3A_331 = arith.constant 0 : index
          %swap3A_332 = tpu.vector_load %arg9[%swap3A_329, %swap3A_330, %swap3A_331] {strides = array<i32>} : memref<2x80x160xbf16, #tpu.memory_space<vmem>>, vector<32xbf16>,
          tpu.vector_store %arg9[%swap3A_329, %swap3A_330, %swap3A_331], %pack3A {strides = array<i32>} : memref<2x80x160xbf16, #tpu.memory_space<vmem>>, vector<32xbf16>,
          %mul3A_333 = arith.mulf %mul3A_320, %get3A_300 : vector<16xf32>
          %mul3A_334 = arith.mulf %mul3A_321, %get3A_300 : vector<16xf32>
          %pack3A_335 = tpu.pack_subelements %mul3A_333, %mul3A_334 {pack_format = #tpu.pack_format<interleaved>, positions = array<i32: 0, 1>} : vector<16xf32>, vector<16xf32> -> vector<32xbf16>
          %swap3A_336 = arith.constant 0 : i32
          %swap3A_337 = arith.index_cast %swap3A_336 : i32 to index
          %swap3A_338 = arith.index_cast %scan3A_294 : i32 to index
          %swap3A_339 = arith.constant 32 : index
          %swap3A_340 = tpu.vector_load %arg9[%swap3A_337, %swap3A_338, %swap3A_339] {strides = array<i32>} : memref<2x80x160xbf16, #tpu.memory_space<vmem>>, vector<32xbf16>,
          tpu.vector_store %arg9[%swap3A_337, %swap3A_338, %swap3A_339], %pack3A_335 {strides = array<i32>} : memref<2x80x160xbf16, #tpu.memory_space<vmem>>, vector<32xbf16>,
          %mul3A_341 = arith.mulf %mul3A_322, %get3A_300 : vector<16xf32>
          %mul3A_342 = arith.mulf %mul3A_323, %get3A_300 : vector<16xf32>
          %pack3A_343 = tpu.pack_subelements %mul3A_341, %mul3A_342 {pack_format = #tpu.pack_format<interleaved>, positions = array<i32: 0, 1>} : vector<16xf32>, vector<16xf32> -> vector<32xbf16>
          %swap3A_344 = arith.constant 0 : i32
          %swap3A_345 = arith.index_cast %swap3A_344 : i32 to index
          %swap3A_346 = arith.index_cast %scan3A_294 : i32 to index
          %swap3A_347 = arith.constant 64 : index
          %swap3A_348 = tpu.vector_load %arg9[%swap3A_345, %swap3A_346, %swap3A_347] {strides = array<i32>} : memref<2x80x160xbf16, #tpu.memory_space<vmem>>, vector<32xbf16>,
          tpu.vector_store %arg9[%swap3A_345, %swap3A_346, %swap3A_347], %pack3A_343 {strides = array<i32>} : memref<2x80x160xbf16, #tpu.memory_space<vmem>>, vector<32xbf16>,
          %mul3A_349 = arith.mulf %mul3A_324, %get3A_300 : vector<16xf32>
          %mul3A_350 = arith.mulf %mul3A_325, %get3A_300 : vector<16xf32>
          %pack3A_351 = tpu.pack_subelements %mul3A_349, %mul3A_350 {pack_format = #tpu.pack_format<interleaved>, positions = array<i32: 0, 1>} : vector<16xf32>, vector<16xf32> -> vector<32xbf16>
          %swap3A_352 = arith.constant 0 : i32
          %swap3A_353 = arith.index_cast %swap3A_352 : i32 to index
          %swap3A_354 = arith.index_cast %scan3A_294 : i32 to index
          %swap3A_355 = arith.constant 96 : index
          %swap3A_356 = tpu.vector_load %arg9[%swap3A_353, %swap3A_354, %swap3A_355] {strides = array<i32>} : memref<2x80x160xbf16, #tpu.memory_space<vmem>>, vector<32xbf16>,
          tpu.vector_store %arg9[%swap3A_353, %swap3A_354, %swap3A_355], %pack3A_351 {strides = array<i32>} : memref<2x80x160xbf16, #tpu.memory_space<vmem>>, vector<32xbf16>,
          %mul3A_357 = arith.mulf %mul3A_326, %get3A_300 : vector<16xf32>
          %pack3A_358 = tpu.pack_subelements %mul3A_357, %mul3A_31 {pack_format = #tpu.pack_format<interleaved>, positions = array<i32: 0, 1>} : vector<16xf32>, vector<16xf32> -> vector<32xbf16>
          %swap3A_359 = arith.constant 0 : i32
          %swap3A_360 = arith.index_cast %swap3A_359 : i32 to index
          %swap3A_361 = arith.index_cast %scan3A_294 : i32 to index
          %swap3A_362 = arith.constant 128 : index
          %swap3A_363 = tpu.vector_load %arg9[%swap3A_360, %swap3A_361, %swap3A_362] {strides = array<i32>} : memref<2x80x160xbf16, #tpu.memory_space<vmem>>, vector<32xbf16>,
          tpu.vector_store %arg9[%swap3A_360, %swap3A_361, %swap3A_362], %pack3A_358 {strides = array<i32>} : memref<2x80x160xbf16, #tpu.memory_space<vmem>>, vector<32xbf16>,
          %scan3A_364 = arith.constant 0 : i32
          scf.yield %scan3A_364 : i32
        }
        %scan3A_212 = arith.constant 80 : i32
        %dma_start3A_213 = arith.constant 0 : i32
        %dma_start3A_214 = arith.constant 0 : i32
        %dma_start3A_215 = arith.constant 0 : i32
        %dma_start3A_216 = tpu.memref_slice %arg9[%dma_start3A_213, %dma_start3A_214, %dma_start3A_215] : memref<2x80x160xbf16, #tpu.memory_space<vmem>> -> memref<1x80x160xbf16, #tpu.memory_space<vmem>>
        %dma_start3A_217 = tpu.memref_squeeze %dma_start3A_216 : memref<1x80x160xbf16, #tpu.memory_space<vmem>> -> memref<80x160xbf16, #tpu.memory_space<vmem>>
        %dma_start3A_218 = arith.constant 0 : i32
        %dma_start3A_219 = tpu.memref_slice %arg6[%add3A_160, %dma_start3A_218] : memref<125x80xi32, #tpu.memory_space<vmem>> -> memref<1x80xi32, #tpu.memory_space<vmem>>
        %dma_start3A_220 = tpu.memref_squeeze %dma_start3A_219 : memref<1x80xi32, #tpu.memory_space<vmem>> -> memref<80xi32, #tpu.memory_space<vmem>>
        %dma_start3A_221 = arith.constant 0 : i32
        %dma_start3A_222 = arith.constant 0 : i32
        %dma_start3A_223 = tpu.memref_slice %arg11[%dma_start3A_221, %dma_start3A_222] : memref<10000x160xbf16, #tpu.memory_space<vmem_shared>> -> memref<10000x160xbf16, #tpu.memory_space<vmem_shared>>
        tpu.enqueue_indirect_dma source(%dma_start3A_217 : memref<80x160xbf16, #tpu.memory_space<vmem>>) target(%dma_start3A_223 : memref<10000x160xbf16, #tpu.memory_space<vmem_shared>>) offsets(%dma_start3A_220 : memref<80xi32, #tpu.memory_space<vmem>>) semaphore(%arg14 : memref<!tpu.dma_semaphore, #tpu.memory_space<semaphore_mem>>) {add = true}
        %mul3A_224 = arith.constant 2 : i32
        %mul3A_225 = arith.muli %scan3A_155, %mul3A_224 : i32
        %add3A_226 = arith.constant 1 : i32
        %add3A_227 = arith.addi %mul3A_225, %add3A_226 : i32
        %add3A_228 = arith.constant 1 : i32
        %add3A_229 = arith.addi %add3A_227, %add3A_228 : i32
        %mul3A_230 = arith.constant 2560000 : i32
        %mul3A_231 = arith.muli %add3A, %mul3A_230 : i32
        %mul3A_232 = arith.constant 10000 : i32
        %mul3A_233 = arith.muli %arg1, %mul3A_232 : i32
        %mul3A_234 = arith.constant 80 : i32
        %mul3A_235 = arith.muli %add3A_229, %mul3A_234 : i32
        %add3A_236 = arith.addi %mul3A_233, %mul3A_235 : i32
        %mul3A_237 = arith.constant 16 : i32
        %mul3A_238 = arith.muli %add3A_236, %mul3A_237 : i32
        %add3A_239 = arith.addi %mul3A_231, %mul3A_238 : i32
        %dma_start3A_240 = arith.constant 0 : i32
        %dma_start3A_241 = arith.constant 0 : i32
        %dma_start3A_242 = tpu.memref_slice %arg8[%dma_start3A_240, %dma_start3A_241] : memref<2x1280xf32, #tpu.memory_space<vmem>> -> memref<1x1280xf32, #tpu.memory_space<vmem>>
        %dma_start3A_243 = tpu.memref_squeeze %dma_start3A_242 : memref<1x1280xf32, #tpu.memory_space<vmem>> -> memref<1280xf32, #tpu.memory_space<vmem>>
        %dma_start3A_244 = tpu.memref_slice %arg3[%add3A_239] : memref<20480000xf32, #tpu.memory_space<hbm>> -> memref<1280xf32, #tpu.memory_space<hbm>>
        %dma_start3A_245 = arith.constant 0 : i32
        %dma_start3A_246 = tpu.memref_slice %arg8[%dma_start3A_240, %dma_start3A_245] : memref<2x1280xf32, #tpu.memory_space<vmem>> -> memref<1x1280xf32, #tpu.memory_space<vmem>>
        %dma_start3A_247 = tpu.memref_squeeze %dma_start3A_246 : memref<1x1280xf32, #tpu.memory_space<vmem>> -> memref<1280xf32, #tpu.memory_space<vmem>>
        %dma_start3A_248 = tpu.memref_slice %arg3[%add3A_239] : memref<20480000xf32, #tpu.memory_space<hbm>> -> memref<1280xf32, #tpu.memory_space<hbm>>
        tpu.enqueue_dma source(%dma_start3A_248 : memref<1280xf32, #tpu.memory_space<hbm>>) target(%dma_start3A_247 : memref<1280xf32, #tpu.memory_space<vmem>>) target_semaphore(%arg12 : memref<!tpu.dma_semaphore, #tpu.memory_space<semaphore_mem>>)
        %mul3A_249 = arith.constant 2560000 : i32
        %mul3A_250 = arith.muli %add3A, %mul3A_249 : i32
        %mul3A_251 = arith.constant 10000 : i32
        %mul3A_252 = arith.muli %arg1, %mul3A_251 : i32
        %mul3A_253 = arith.constant 80 : i32
        %mul3A_254 = arith.muli %add3A_227, %mul3A_253 : i32
        %add3A_255 = arith.addi %mul3A_252, %mul3A_254 : i32
        %mul3A_256 = arith.constant 16 : i32
        %mul3A_257 = arith.muli %add3A_255, %mul3A_256 : i32
        %add3A_258 = arith.addi %mul3A_250, %mul3A_257 : i32
        %dma_wait3A_259 = arith.constant 1 : i32
        %dma_wait3A_260 = arith.constant 0 : i32
        %dma_wait3A_261 = tpu.memref_slice %arg8[%dma_wait3A_259, %dma_wait3A_260] : memref<2x1280xf32, #tpu.memory_space<vmem>> -> memref<1x1280xf32, #tpu.memory_space<vmem>>
        %dma_wait3A_262 = tpu.memref_squeeze %dma_wait3A_261 : memref<1x1280xf32, #tpu.memory_space<vmem>> -> memref<1280xf32, #tpu.memory_space<vmem>>
        %dma_wait3A_263 = tpu.memref_slice %arg3[%add3A_258] : memref<20480000xf32, #tpu.memory_space<hbm>> -> memref<1280xf32, #tpu.memory_space<hbm>>
        %dma_wait3A_264 = arith.constant 0 : i32
        %dma_wait3A_265 = tpu.memref_slice %arg8[%dma_wait3A_259, %dma_wait3A_264] : memref<2x1280xf32, #tpu.memory_space<vmem>> -> memref<1x1280xf32, #tpu.memory_space<vmem>>
        %dma_wait3A_266 = tpu.memref_squeeze %dma_wait3A_265 : memref<1x1280xf32, #tpu.memory_space<vmem>> -> memref<1280xf32, #tpu.memory_space<vmem>>
        %dma_wait3A_267 = tpu.memref_slice %arg3[%add3A_258] : memref<20480000xf32, #tpu.memory_space<hbm>> -> memref<1280xf32, #tpu.memory_space<hbm>>
        tpu.wait_dma2 semaphore(%arg13 : memref<!tpu.dma_semaphore, #tpu.memory_space<semaphore_mem>>) src(%dma_wait3A_267 : memref<1280xf32, #tpu.memory_space<hbm>>) dst(%dma_wait3A_266 : memref<1280xf32, #tpu.memory_space<vmem>>)
        %ge3A_268 = arith.constant 1 : i32
        %ge3A_269 = arith.cmpi sge, %scan3A_155, %ge3A_268 : i32
        %convert_element_type3A_270 = arith.extui %ge3A_269 : i1 to i32
        %cond3A_271 = arith.constant 0 : i32
        %cond3A_272 = arith.cmpi ne, %convert_element_type3A_270, %cond3A_271 : i32
        scf.if %cond3A_272 {
          %dma_wait3A_294 = arith.constant 1 : i32
          %dma_wait3A_295 = arith.constant 0 : i32
          %dma_wait3A_296 = arith.constant 0 : i32
          %dma_wait3A_297 = tpu.memref_slice %arg9[%dma_wait3A_294, %dma_wait3A_295, %dma_wait3A_296] : memref<2x80x160xbf16, #tpu.memory_space<vmem>> -> memref<1x80x160xbf16, #tpu.memory_space<vmem>>
          %dma_wait3A_298 = tpu.memref_squeeze %dma_wait3A_297 : memref<1x80x160xbf16, #tpu.memory_space<vmem>> -> memref<80x160xbf16, #tpu.memory_space<vmem>>
          %dma_wait3A_299 = arith.constant 0 : i32
          %dma_wait3A_300 = tpu.memref_slice %arg6[%add3A_227, %dma_wait3A_299] : memref<125x80xi32, #tpu.memory_space<vmem>> -> memref<1x80xi32, #tpu.memory_space<vmem>>
          %dma_wait3A_301 = tpu.memref_squeeze %dma_wait3A_300 : memref<1x80xi32, #tpu.memory_space<vmem>> -> memref<80xi32, #tpu.memory_space<vmem>>
          %dma_wait3A_302 = arith.constant 0 : i32
          %dma_wait3A_303 = arith.constant 0 : i32
          %dma_wait3A_304 = tpu.memref_slice %arg11[%dma_wait3A_302, %dma_wait3A_303] : memref<10000x160xbf16, #tpu.memory_space<vmem_shared>> -> memref<10000x160xbf16, #tpu.memory_space<vmem_shared>>
          tpu.wait_indirect_dma semaphore(%arg15 : memref<!tpu.dma_semaphore, #tpu.memory_space<semaphore_mem>>) src(%dma_wait3A_298 : memref<80x160xbf16, #tpu.memory_space<vmem>>) dst(%dma_wait3A_304 : memref<10000x160xbf16, #tpu.memory_space<vmem_shared>>)
        } else {
        }
        %mul3A_273 = arith.constant 80 : i32
        %mul3A_274 = arith.muli %add3A_227, %mul3A_273 : i32
        %scan3A_275 = arith.constant 0 : i32
        %scan3A_276 = arith.constant 0 : i32
        %scan3A_277 = arith.constant 80 : i32
        %scan3A_278 = arith.addi %scan3A_276, %scan3A_277 : i32
        %scan3A_279 = arith.constant 1 : i32
        %scan3A_280 = scf.for %scan3A_294 = %scan3A_276 to %scan3A_278 step %scan3A_279 iter_args(%scan3A_295 = %scan3A_275) -> (i32)  : i32 {
          %mul3A_296 = arith.constant 16 : i32
          %mul3A_297 = arith.muli %scan3A_294, %mul3A_296 : i32
          %get3A = arith.constant 1 : i32
          %get3A_298 = arith.index_cast %get3A : i32 to index
          %get3A_299 = arith.index_cast %mul3A_297 : i32 to index
          %get3A_300 = tpu.vector_load %arg8[%get3A_298, %get3A_299] {strides = array<i32>} : memref<2x1280xf32, #tpu.memory_space<vmem>>, vector<16xf32>,
          %add3A_301 = arith.addi %mul3A_274, %scan3A_294 : i32
          %mul3A_302 = arith.constant 3 : i32
          %mul3A_303 = arith.muli %add3A_301, %mul3A_302 : i32
          %broadcast_in_dim3A_304 = arith.constant 0 : i32
          %broadcast_in_dim3A_305 = vector.broadcast %broadcast_in_dim3A_304 : i32 to vector<16xi32>
          %add3A_306 = vector.broadcast %mul3A_303 : i32 to vector<16xi32>
          %add3A_307 = arith.addi %broadcast_in_dim3A_305, %add3A_306 : vector<16xi32>
          %gather3A = tpu.vector_load_idx %arg7[%add3A_307] : memref<30000xf32, #tpu.memory_space<vmem>>[vector<16xi32>], vector<16xf32>,
          %broadcast_in_dim3A_308 = arith.constant 1 : i32
          %broadcast_in_dim3A_309 = vector.broadcast %broadcast_in_dim3A_308 : i32 to vector<16xi32>
          %add3A_310 = vector.broadcast %mul3A_303 : i32 to vector<16xi32>
          %add3A_311 = arith.addi %broadcast_in_dim3A_309, %add3A_310 : vector<16xi32>
          %gather3A_312 = tpu.vector_load_idx %arg7[%add3A_311] : memref<30000xf32, #tpu.memory_space<vmem>>[vector<16xi32>], vector<16xf32>,
          %broadcast_in_dim3A_313 = arith.constant 2 : i32
          %broadcast_in_dim3A_314 = vector.broadcast %broadcast_in_dim3A_313 : i32 to vector<16xi32>
          %add3A_315 = vector.broadcast %mul3A_303 : i32 to vector<16xi32>
          %add3A_316 = arith.addi %broadcast_in_dim3A_314, %add3A_315 : vector<16xi32>
          %gather3A_317 = tpu.vector_load_idx %arg7[%add3A_316] : memref<30000xf32, #tpu.memory_space<vmem>>[vector<16xi32>], vector<16xf32>,
          %mul3A_318 = arith.mulf %gather3A, %gather3A : vector<16xf32>
          %mul3A_319 = arith.mulf %gather3A, %gather3A_312 : vector<16xf32>
          %mul3A_320 = arith.mulf %gather3A, %gather3A_317 : vector<16xf32>
          %mul3A_321 = arith.mulf %gather3A_312, %gather3A : vector<16xf32>
          %mul3A_322 = arith.mulf %gather3A_312, %gather3A_312 : vector<16xf32>
          %mul3A_323 = arith.mulf %gather3A_312, %gather3A_317 : vector<16xf32>
          %mul3A_324 = arith.mulf %gather3A_317, %gather3A : vector<16xf32>
          %mul3A_325 = arith.mulf %gather3A_317, %gather3A_312 : vector<16xf32>
          %mul3A_326 = arith.mulf %gather3A_317, %gather3A_317 : vector<16xf32>
          %mul3A_327 = arith.mulf %mul3A_318, %get3A_300 : vector<16xf32>
          %mul3A_328 = arith.mulf %mul3A_319, %get3A_300 : vector<16xf32>
          %pack3A = tpu.pack_subelements %mul3A_327, %mul3A_328 {pack_format = #tpu.pack_format<interleaved>, positions = array<i32: 0, 1>} : vector<16xf32>, vector<16xf32> -> vector<32xbf16>
          %swap3A = arith.constant 1 : i32
          %swap3A_329 = arith.index_cast %swap3A : i32 to index
          %swap3A_330 = arith.index_cast %scan3A_294 : i32 to index
          %swap3A_331 = arith.constant 0 : index
          %swap3A_332 = tpu.vector_load %arg9[%swap3A_329, %swap3A_330, %swap3A_331] {strides = array<i32>} : memref<2x80x160xbf16, #tpu.memory_space<vmem>>, vector<32xbf16>,
          tpu.vector_store %arg9[%swap3A_329, %swap3A_330, %swap3A_331], %pack3A {strides = array<i32>} : memref<2x80x160xbf16, #tpu.memory_space<vmem>>, vector<32xbf16>,
          %mul3A_333 = arith.mulf %mul3A_320, %get3A_300 : vector<16xf32>
          %mul3A_334 = arith.mulf %mul3A_321, %get3A_300 : vector<16xf32>
          %pack3A_335 = tpu.pack_subelements %mul3A_333, %mul3A_334 {pack_format = #tpu.pack_format<interleaved>, positions = array<i32: 0, 1>} : vector<16xf32>, vector<16xf32> -> vector<32xbf16>
          %swap3A_336 = arith.constant 1 : i32
          %swap3A_337 = arith.index_cast %swap3A_336 : i32 to index
          %swap3A_338 = arith.index_cast %scan3A_294 : i32 to index
          %swap3A_339 = arith.constant 32 : index
          %swap3A_340 = tpu.vector_load %arg9[%swap3A_337, %swap3A_338, %swap3A_339] {strides = array<i32>} : memref<2x80x160xbf16, #tpu.memory_space<vmem>>, vector<32xbf16>,
          tpu.vector_store %arg9[%swap3A_337, %swap3A_338, %swap3A_339], %pack3A_335 {strides = array<i32>} : memref<2x80x160xbf16, #tpu.memory_space<vmem>>, vector<32xbf16>,
          %mul3A_341 = arith.mulf %mul3A_322, %get3A_300 : vector<16xf32>
          %mul3A_342 = arith.mulf %mul3A_323, %get3A_300 : vector<16xf32>
          %pack3A_343 = tpu.pack_subelements %mul3A_341, %mul3A_342 {pack_format = #tpu.pack_format<interleaved>, positions = array<i32: 0, 1>} : vector<16xf32>, vector<16xf32> -> vector<32xbf16>
          %swap3A_344 = arith.constant 1 : i32
          %swap3A_345 = arith.index_cast %swap3A_344 : i32 to index
          %swap3A_346 = arith.index_cast %scan3A_294 : i32 to index
          %swap3A_347 = arith.constant 64 : index
          %swap3A_348 = tpu.vector_load %arg9[%swap3A_345, %swap3A_346, %swap3A_347] {strides = array<i32>} : memref<2x80x160xbf16, #tpu.memory_space<vmem>>, vector<32xbf16>,
          tpu.vector_store %arg9[%swap3A_345, %swap3A_346, %swap3A_347], %pack3A_343 {strides = array<i32>} : memref<2x80x160xbf16, #tpu.memory_space<vmem>>, vector<32xbf16>,
          %mul3A_349 = arith.mulf %mul3A_324, %get3A_300 : vector<16xf32>
          %mul3A_350 = arith.mulf %mul3A_325, %get3A_300 : vector<16xf32>
          %pack3A_351 = tpu.pack_subelements %mul3A_349, %mul3A_350 {pack_format = #tpu.pack_format<interleaved>, positions = array<i32: 0, 1>} : vector<16xf32>, vector<16xf32> -> vector<32xbf16>
          %swap3A_352 = arith.constant 1 : i32
          %swap3A_353 = arith.index_cast %swap3A_352 : i32 to index
          %swap3A_354 = arith.index_cast %scan3A_294 : i32 to index
          %swap3A_355 = arith.constant 96 : index
          %swap3A_356 = tpu.vector_load %arg9[%swap3A_353, %swap3A_354, %swap3A_355] {strides = array<i32>} : memref<2x80x160xbf16, #tpu.memory_space<vmem>>, vector<32xbf16>,
          tpu.vector_store %arg9[%swap3A_353, %swap3A_354, %swap3A_355], %pack3A_351 {strides = array<i32>} : memref<2x80x160xbf16, #tpu.memory_space<vmem>>, vector<32xbf16>,
          %mul3A_357 = arith.mulf %mul3A_326, %get3A_300 : vector<16xf32>
          %pack3A_358 = tpu.pack_subelements %mul3A_357, %mul3A_31 {pack_format = #tpu.pack_format<interleaved>, positions = array<i32: 0, 1>} : vector<16xf32>, vector<16xf32> -> vector<32xbf16>
          %swap3A_359 = arith.constant 1 : i32
          %swap3A_360 = arith.index_cast %swap3A_359 : i32 to index
          %swap3A_361 = arith.index_cast %scan3A_294 : i32 to index
          %swap3A_362 = arith.constant 128 : index
          %swap3A_363 = tpu.vector_load %arg9[%swap3A_360, %swap3A_361, %swap3A_362] {strides = array<i32>} : memref<2x80x160xbf16, #tpu.memory_space<vmem>>, vector<32xbf16>,
          tpu.vector_store %arg9[%swap3A_360, %swap3A_361, %swap3A_362], %pack3A_358 {strides = array<i32>} : memref<2x80x160xbf16, #tpu.memory_space<vmem>>, vector<32xbf16>,
          %scan3A_364 = arith.constant 0 : i32
          scf.yield %scan3A_364 : i32
        }
        %scan3A_281 = arith.constant 80 : i32
        %dma_start3A_282 = arith.constant 1 : i32
        %dma_start3A_283 = arith.constant 0 : i32
        %dma_start3A_284 = arith.constant 0 : i32
        %dma_start3A_285 = tpu.memref_slice %arg9[%dma_start3A_282, %dma_start3A_283, %dma_start3A_284] : memref<2x80x160xbf16, #tpu.memory_space<vmem>> -> memref<1x80x160xbf16, #tpu.memory_space<vmem>>
        %dma_start3A_286 = tpu.memref_squeeze %dma_start3A_285 : memref<1x80x160xbf16, #tpu.memory_space<vmem>> -> memref<80x160xbf16, #tpu.memory_space<vmem>>
        %dma_start3A_287 = arith.constant 0 : i32
        %dma_start3A_288 = tpu.memref_slice %arg6[%add3A_227, %dma_start3A_287] : memref<125x80xi32, #tpu.memory_space<vmem>> -> memref<1x80xi32, #tpu.memory_space<vmem>>
        %dma_start3A_289 = tpu.memref_squeeze %dma_start3A_288 : memref<1x80xi32, #tpu.memory_space<vmem>> -> memref<80xi32, #tpu.memory_space<vmem>>
        %dma_start3A_290 = arith.constant 0 : i32
        %dma_start3A_291 = arith.constant 0 : i32
        %dma_start3A_292 = tpu.memref_slice %arg11[%dma_start3A_290, %dma_start3A_291] : memref<10000x160xbf16, #tpu.memory_space<vmem_shared>> -> memref<10000x160xbf16, #tpu.memory_space<vmem_shared>>
        tpu.enqueue_indirect_dma source(%dma_start3A_286 : memref<80x160xbf16, #tpu.memory_space<vmem>>) target(%dma_start3A_292 : memref<10000x160xbf16, #tpu.memory_space<vmem_shared>>) offsets(%dma_start3A_289 : memref<80xi32, #tpu.memory_space<vmem>>) semaphore(%arg15 : memref<!tpu.dma_semaphore, #tpu.memory_space<semaphore_mem>>) {add = true}
        %scan3A_293 = arith.constant 0 : i32
        scf.yield %scan3A_293 : i32
      }
      %scan3A_75 = arith.constant 62 : i32
      %mul3A_76 = arith.constant 2560000 : i32
      %mul3A_77 = arith.muli %add3A, %mul3A_76 : i32
      %mul3A_78 = arith.constant 10000 : i32
      %mul3A_79 = arith.muli %arg1, %mul3A_78 : i32
      %add3A_80 = arith.constant 9920 : i32
      %add3A_81 = arith.addi %mul3A_79, %add3A_80 : i32
      %mul3A_82 = arith.constant 16 : i32
      %mul3A_83 = arith.muli %add3A_81, %mul3A_82 : i32
      %add3A_84 = arith.addi %mul3A_77, %mul3A_83 : i32
      %dma_wait3A = arith.constant 0 : i32
      %dma_wait3A_85 = arith.constant 0 : i32
      %dma_wait3A_86 = tpu.memref_slice %arg8[%dma_wait3A, %dma_wait3A_85] : memref<2x1280xf32, #tpu.memory_space<vmem>> -> memref<1x1280xf32, #tpu.memory_space<vmem>>
      %dma_wait3A_87 = tpu.memref_squeeze %dma_wait3A_86 : memref<1x1280xf32, #tpu.memory_space<vmem>> -> memref<1280xf32, #tpu.memory_space<vmem>>
      %dma_wait3A_88 = tpu.memref_slice %arg3[%add3A_84] : memref<20480000xf32, #tpu.memory_space<hbm>> -> memref<1280xf32, #tpu.memory_space<hbm>>
      %dma_wait3A_89 = arith.constant 0 : i32
      %dma_wait3A_90 = tpu.memref_slice %arg8[%dma_wait3A, %dma_wait3A_89] : memref<2x1280xf32, #tpu.memory_space<vmem>> -> memref<1x1280xf32, #tpu.memory_space<vmem>>
      %dma_wait3A_91 = tpu.memref_squeeze %dma_wait3A_90 : memref<1x1280xf32, #tpu.memory_space<vmem>> -> memref<1280xf32, #tpu.memory_space<vmem>>
      %dma_wait3A_92 = tpu.memref_slice %arg3[%add3A_84] : memref<20480000xf32, #tpu.memory_space<hbm>> -> memref<1280xf32, #tpu.memory_space<hbm>>
      tpu.wait_dma2 semaphore(%arg12 : memref<!tpu.dma_semaphore, #tpu.memory_space<semaphore_mem>>) src(%dma_wait3A_92 : memref<1280xf32, #tpu.memory_space<hbm>>) dst(%dma_wait3A_91 : memref<1280xf32, #tpu.memory_space<vmem>>)
      %dma_wait3A_93 = arith.constant 0 : i32
      %dma_wait3A_94 = arith.constant 124 : i32
      %dma_wait3A_95 = arith.constant 0 : i32
      %dma_wait3A_96 = arith.constant 0 : i32
      %dma_wait3A_97 = tpu.memref_slice %arg9[%dma_wait3A_93, %dma_wait3A_95, %dma_wait3A_96] : memref<2x80x160xbf16, #tpu.memory_space<vmem>> -> memref<1x80x160xbf16, #tpu.memory_space<vmem>>
      %dma_wait3A_98 = tpu.memref_squeeze %dma_wait3A_97 : memref<1x80x160xbf16, #tpu.memory_space<vmem>> -> memref<80x160xbf16, #tpu.memory_space<vmem>>
      %dma_wait3A_99 = arith.constant 0 : i32
      %dma_wait3A_100 = tpu.memref_slice %arg6[%dma_wait3A_94, %dma_wait3A_99] : memref<125x80xi32, #tpu.memory_space<vmem>> -> memref<1x80xi32, #tpu.memory_space<vmem>>
      %dma_wait3A_101 = tpu.memref_squeeze %dma_wait3A_100 : memref<1x80xi32, #tpu.memory_space<vmem>> -> memref<80xi32, #tpu.memory_space<vmem>>
      %dma_wait3A_102 = arith.constant 0 : i32
      %dma_wait3A_103 = arith.constant 0 : i32
      %dma_wait3A_104 = tpu.memref_slice %arg11[%dma_wait3A_102, %dma_wait3A_103] : memref<10000x160xbf16, #tpu.memory_space<vmem_shared>> -> memref<10000x160xbf16, #tpu.memory_space<vmem_shared>>
      tpu.wait_indirect_dma semaphore(%arg14 : memref<!tpu.dma_semaphore, #tpu.memory_space<semaphore_mem>>) src(%dma_wait3A_98 : memref<80x160xbf16, #tpu.memory_space<vmem>>) dst(%dma_wait3A_104 : memref<10000x160xbf16, #tpu.memory_space<vmem_shared>>)
      %scan3A_105 = arith.constant 0 : i32
      %scan3A_106 = arith.constant 0 : i32
      %scan3A_107 = arith.constant 80 : i32
      %scan3A_108 = arith.addi %scan3A_106, %scan3A_107 : i32
      %scan3A_109 = arith.constant 1 : i32
      %scan3A_110 = scf.for %scan3A_155 = %scan3A_106 to %scan3A_108 step %scan3A_109 iter_args(%scan3A_156 = %scan3A_105) -> (i32)  : i32 {
        %mul3A_157 = arith.constant 16 : i32
        %mul3A_158 = arith.muli %scan3A_155, %mul3A_157 : i32
        %get3A = arith.constant 0 : i32
        %get3A_159 = arith.index_cast %get3A : i32 to index
        %get3A_160 = arith.index_cast %mul3A_158 : i32 to index
        %get3A_161 = tpu.vector_load %arg8[%get3A_159, %get3A_160] {strides = array<i32>} : memref<2x1280xf32, #tpu.memory_space<vmem>>, vector<16xf32>,
        %add3A_162 = arith.constant 9920 : i32
        %add3A_163 = arith.addi %add3A_162, %scan3A_155 : i32
        %mul3A_164 = arith.constant 3 : i32
        %mul3A_165 = arith.muli %add3A_163, %mul3A_164 : i32
        %broadcast_in_dim3A_166 = arith.constant 0 : i32
        %broadcast_in_dim3A_167 = vector.broadcast %broadcast_in_dim3A_166 : i32 to vector<16xi32>
        %add3A_168 = vector.broadcast %mul3A_165 : i32 to vector<16xi32>
        %add3A_169 = arith.addi %broadcast_in_dim3A_167, %add3A_168 : vector<16xi32>
        %gather3A = tpu.vector_load_idx %arg7[%add3A_169] : memref<30000xf32, #tpu.memory_space<vmem>>[vector<16xi32>], vector<16xf32>,
        %broadcast_in_dim3A_170 = arith.constant 1 : i32
        %broadcast_in_dim3A_171 = vector.broadcast %broadcast_in_dim3A_170 : i32 to vector<16xi32>
        %add3A_172 = vector.broadcast %mul3A_165 : i32 to vector<16xi32>
        %add3A_173 = arith.addi %broadcast_in_dim3A_171, %add3A_172 : vector<16xi32>
        %gather3A_174 = tpu.vector_load_idx %arg7[%add3A_173] : memref<30000xf32, #tpu.memory_space<vmem>>[vector<16xi32>], vector<16xf32>,
        %broadcast_in_dim3A_175 = arith.constant 2 : i32
        %broadcast_in_dim3A_176 = vector.broadcast %broadcast_in_dim3A_175 : i32 to vector<16xi32>
        %add3A_177 = vector.broadcast %mul3A_165 : i32 to vector<16xi32>
        %add3A_178 = arith.addi %broadcast_in_dim3A_176, %add3A_177 : vector<16xi32>
        %gather3A_179 = tpu.vector_load_idx %arg7[%add3A_178] : memref<30000xf32, #tpu.memory_space<vmem>>[vector<16xi32>], vector<16xf32>,
        %mul3A_180 = arith.mulf %gather3A, %gather3A : vector<16xf32>
        %mul3A_181 = arith.mulf %gather3A, %gather3A_174 : vector<16xf32>
        %mul3A_182 = arith.mulf %gather3A, %gather3A_179 : vector<16xf32>
        %mul3A_183 = arith.mulf %gather3A_174, %gather3A : vector<16xf32>
        %mul3A_184 = arith.mulf %gather3A_174, %gather3A_174 : vector<16xf32>
        %mul3A_185 = arith.mulf %gather3A_174, %gather3A_179 : vector<16xf32>
        %mul3A_186 = arith.mulf %gather3A_179, %gather3A : vector<16xf32>
        %mul3A_187 = arith.mulf %gather3A_179, %gather3A_174 : vector<16xf32>
        %mul3A_188 = arith.mulf %gather3A_179, %gather3A_179 : vector<16xf32>
        %mul3A_189 = arith.mulf %mul3A_180, %get3A_161 : vector<16xf32>
        %mul3A_190 = arith.mulf %mul3A_181, %get3A_161 : vector<16xf32>
        %pack3A = tpu.pack_subelements %mul3A_189, %mul3A_190 {pack_format = #tpu.pack_format<interleaved>, positions = array<i32: 0, 1>} : vector<16xf32>, vector<16xf32> -> vector<32xbf16>
        %swap3A = arith.constant 0 : i32
        %swap3A_191 = arith.index_cast %swap3A : i32 to index
        %swap3A_192 = arith.index_cast %scan3A_155 : i32 to index
        %swap3A_193 = arith.constant 0 : index
        %swap3A_194 = tpu.vector_load %arg9[%swap3A_191, %swap3A_192, %swap3A_193] {strides = array<i32>} : memref<2x80x160xbf16, #tpu.memory_space<vmem>>, vector<32xbf16>,
        tpu.vector_store %arg9[%swap3A_191, %swap3A_192, %swap3A_193], %pack3A {strides = array<i32>} : memref<2x80x160xbf16, #tpu.memory_space<vmem>>, vector<32xbf16>,
        %mul3A_195 = arith.mulf %mul3A_182, %get3A_161 : vector<16xf32>
        %mul3A_196 = arith.mulf %mul3A_183, %get3A_161 : vector<16xf32>
        %pack3A_197 = tpu.pack_subelements %mul3A_195, %mul3A_196 {pack_format = #tpu.pack_format<interleaved>, positions = array<i32: 0, 1>} : vector<16xf32>, vector<16xf32> -> vector<32xbf16>
        %swap3A_198 = arith.constant 0 : i32
        %swap3A_199 = arith.index_cast %swap3A_198 : i32 to index
        %swap3A_200 = arith.index_cast %scan3A_155 : i32 to index
        %swap3A_201 = arith.constant 32 : index
        %swap3A_202 = tpu.vector_load %arg9[%swap3A_199, %swap3A_200, %swap3A_201] {strides = array<i32>} : memref<2x80x160xbf16, #tpu.memory_space<vmem>>, vector<32xbf16>,
        tpu.vector_store %arg9[%swap3A_199, %swap3A_200, %swap3A_201], %pack3A_197 {strides = array<i32>} : memref<2x80x160xbf16, #tpu.memory_space<vmem>>, vector<32xbf16>,
        %mul3A_203 = arith.mulf %mul3A_184, %get3A_161 : vector<16xf32>
        %mul3A_204 = arith.mulf %mul3A_185, %get3A_161 : vector<16xf32>
        %pack3A_205 = tpu.pack_subelements %mul3A_203, %mul3A_204 {pack_format = #tpu.pack_format<interleaved>, positions = array<i32: 0, 1>} : vector<16xf32>, vector<16xf32> -> vector<32xbf16>
        %swap3A_206 = arith.constant 0 : i32
        %swap3A_207 = arith.index_cast %swap3A_206 : i32 to index
        %swap3A_208 = arith.index_cast %scan3A_155 : i32 to index
        %swap3A_209 = arith.constant 64 : index
        %swap3A_210 = tpu.vector_load %arg9[%swap3A_207, %swap3A_208, %swap3A_209] {strides = array<i32>} : memref<2x80x160xbf16, #tpu.memory_space<vmem>>, vector<32xbf16>,
        tpu.vector_store %arg9[%swap3A_207, %swap3A_208, %swap3A_209], %pack3A_205 {strides = array<i32>} : memref<2x80x160xbf16, #tpu.memory_space<vmem>>, vector<32xbf16>,
        %mul3A_211 = arith.mulf %mul3A_186, %get3A_161 : vector<16xf32>
        %mul3A_212 = arith.mulf %mul3A_187, %get3A_161 : vector<16xf32>
        %pack3A_213 = tpu.pack_subelements %mul3A_211, %mul3A_212 {pack_format = #tpu.pack_format<interleaved>, positions = array<i32: 0, 1>} : vector<16xf32>, vector<16xf32> -> vector<32xbf16>
        %swap3A_214 = arith.constant 0 : i32
        %swap3A_215 = arith.index_cast %swap3A_214 : i32 to index
        %swap3A_216 = arith.index_cast %scan3A_155 : i32 to index
        %swap3A_217 = arith.constant 96 : index
        %swap3A_218 = tpu.vector_load %arg9[%swap3A_215, %swap3A_216, %swap3A_217] {strides = array<i32>} : memref<2x80x160xbf16, #tpu.memory_space<vmem>>, vector<32xbf16>,
        tpu.vector_store %arg9[%swap3A_215, %swap3A_216, %swap3A_217], %pack3A_213 {strides = array<i32>} : memref<2x80x160xbf16, #tpu.memory_space<vmem>>, vector<32xbf16>,
        %mul3A_219 = arith.mulf %mul3A_188, %get3A_161 : vector<16xf32>
        %pack3A_220 = tpu.pack_subelements %mul3A_219, %mul3A_31 {pack_format = #tpu.pack_format<interleaved>, positions = array<i32: 0, 1>} : vector<16xf32>, vector<16xf32> -> vector<32xbf16>
        %swap3A_221 = arith.constant 0 : i32
        %swap3A_222 = arith.index_cast %swap3A_221 : i32 to index
        %swap3A_223 = arith.index_cast %scan3A_155 : i32 to index
        %swap3A_224 = arith.constant 128 : index
        %swap3A_225 = tpu.vector_load %arg9[%swap3A_222, %swap3A_223, %swap3A_224] {strides = array<i32>} : memref<2x80x160xbf16, #tpu.memory_space<vmem>>, vector<32xbf16>,
        tpu.vector_store %arg9[%swap3A_222, %swap3A_223, %swap3A_224], %pack3A_220 {strides = array<i32>} : memref<2x80x160xbf16, #tpu.memory_space<vmem>>, vector<32xbf16>,
        %scan3A_226 = arith.constant 0 : i32
        scf.yield %scan3A_226 : i32
      }
      %scan3A_111 = arith.constant 80 : i32
      %dma_start3A_112 = arith.constant 0 : i32
      %dma_start3A_113 = arith.constant 124 : i32
      %dma_start3A_114 = arith.constant 0 : i32
      %dma_start3A_115 = arith.constant 0 : i32
      %dma_start3A_116 = tpu.memref_slice %arg9[%dma_start3A_112, %dma_start3A_114, %dma_start3A_115] : memref<2x80x160xbf16, #tpu.memory_space<vmem>> -> memref<1x80x160xbf16, #tpu.memory_space<vmem>>
      %dma_start3A_117 = tpu.memref_squeeze %dma_start3A_116 : memref<1x80x160xbf16, #tpu.memory_space<vmem>> -> memref<80x160xbf16, #tpu.memory_space<vmem>>
      %dma_start3A_118 = arith.constant 0 : i32
      %dma_start3A_119 = tpu.memref_slice %arg6[%dma_start3A_113, %dma_start3A_118] : memref<125x80xi32, #tpu.memory_space<vmem>> -> memref<1x80xi32, #tpu.memory_space<vmem>>
      %dma_start3A_120 = tpu.memref_squeeze %dma_start3A_119 : memref<1x80xi32, #tpu.memory_space<vmem>> -> memref<80xi32, #tpu.memory_space<vmem>>
      %dma_start3A_121 = arith.constant 0 : i32
      %dma_start3A_122 = arith.constant 0 : i32
      %dma_start3A_123 = tpu.memref_slice %arg11[%dma_start3A_121, %dma_start3A_122] : memref<10000x160xbf16, #tpu.memory_space<vmem_shared>> -> memref<10000x160xbf16, #tpu.memory_space<vmem_shared>>
      tpu.enqueue_indirect_dma source(%dma_start3A_117 : memref<80x160xbf16, #tpu.memory_space<vmem>>) target(%dma_start3A_123 : memref<10000x160xbf16, #tpu.memory_space<vmem_shared>>) offsets(%dma_start3A_120 : memref<80xi32, #tpu.memory_space<vmem>>) semaphore(%arg14 : memref<!tpu.dma_semaphore, #tpu.memory_space<semaphore_mem>>) {add = true}
      %dma_wait3A_124 = arith.constant 0 : i32
      %dma_wait3A_125 = arith.constant 124 : i32
      %dma_wait3A_126 = arith.constant 0 : i32
      %dma_wait3A_127 = arith.constant 0 : i32
      %dma_wait3A_128 = tpu.memref_slice %arg9[%dma_wait3A_124, %dma_wait3A_126, %dma_wait3A_127] : memref<2x80x160xbf16, #tpu.memory_space<vmem>> -> memref<1x80x160xbf16, #tpu.memory_space<vmem>>
      %dma_wait3A_129 = tpu.memref_squeeze %dma_wait3A_128 : memref<1x80x160xbf16, #tpu.memory_space<vmem>> -> memref<80x160xbf16, #tpu.memory_space<vmem>>
      %dma_wait3A_130 = arith.constant 0 : i32
      %dma_wait3A_131 = tpu.memref_slice %arg6[%dma_wait3A_125, %dma_wait3A_130] : memref<125x80xi32, #tpu.memory_space<vmem>> -> memref<1x80xi32, #tpu.memory_space<vmem>>
      %dma_wait3A_132 = tpu.memref_squeeze %dma_wait3A_131 : memref<1x80xi32, #tpu.memory_space<vmem>> -> memref<80xi32, #tpu.memory_space<vmem>>
      %dma_wait3A_133 = arith.constant 0 : i32
      %dma_wait3A_134 = arith.constant 0 : i32
      %dma_wait3A_135 = tpu.memref_slice %arg11[%dma_wait3A_133, %dma_wait3A_134] : memref<10000x160xbf16, #tpu.memory_space<vmem_shared>> -> memref<10000x160xbf16, #tpu.memory_space<vmem_shared>>
      tpu.wait_indirect_dma semaphore(%arg14 : memref<!tpu.dma_semaphore, #tpu.memory_space<semaphore_mem>>) src(%dma_wait3A_129 : memref<80x160xbf16, #tpu.memory_space<vmem>>) dst(%dma_wait3A_135 : memref<10000x160xbf16, #tpu.memory_space<vmem_shared>>)
      %dma_wait3A_136 = arith.constant 1 : i32
      %dma_wait3A_137 = arith.constant 124 : i32
      %dma_wait3A_138 = arith.constant 0 : i32
      %dma_wait3A_139 = arith.constant 0 : i32
      %dma_wait3A_140 = tpu.memref_slice %arg9[%dma_wait3A_136, %dma_wait3A_138, %dma_wait3A_139] : memref<2x80x160xbf16, #tpu.memory_space<vmem>> -> memref<1x80x160xbf16, #tpu.memory_space<vmem>>
      %dma_wait3A_141 = tpu.memref_squeeze %dma_wait3A_140 : memref<1x80x160xbf16, #tpu.memory_space<vmem>> -> memref<80x160xbf16, #tpu.memory_space<vmem>>
      %dma_wait3A_142 = arith.constant 0 : i32
      %dma_wait3A_143 = tpu.memref_slice %arg6[%dma_wait3A_137, %dma_wait3A_142] : memref<125x80xi32, #tpu.memory_space<vmem>> -> memref<1x80xi32, #tpu.memory_space<vmem>>
      %dma_wait3A_144 = tpu.memref_squeeze %dma_wait3A_143 : memref<1x80xi32, #tpu.memory_space<vmem>> -> memref<80xi32, #tpu.memory_space<vmem>>
      %dma_wait3A_145 = arith.constant 0 : i32
      %dma_wait3A_146 = arith.constant 0 : i32
      %dma_wait3A_147 = tpu.memref_slice %arg11[%dma_wait3A_145, %dma_wait3A_146] : memref<10000x160xbf16, #tpu.memory_space<vmem_shared>> -> memref<10000x160xbf16, #tpu.memory_space<vmem_shared>>
      tpu.wait_indirect_dma semaphore(%arg15 : memref<!tpu.dma_semaphore, #tpu.memory_space<semaphore_mem>>) src(%dma_wait3A_141 : memref<80x160xbf16, #tpu.memory_space<vmem>>) dst(%dma_wait3A_147 : memref<10000x160xbf16, #tpu.memory_space<vmem_shared>>)
      %barrier3A_148 = arith.constant 0 : index
      tpu.barrier barrier_id(%barrier3A_148)
      %mul3A_149 = arith.constant 625 : i32
      %mul3A_150 = arith.muli %arg1, %mul3A_149 : i32
      %mul3A_151 = arith.constant 10000 : i32
      %mul3A_152 = arith.muli %add3A, %mul3A_151 : i32
      %add3A_153 = arith.addi %mul3A_152, %mul3A_150 : i32
      "tpu.region"() ({
        %run_scoped3A = tpu.sem_alloc : memref<!tpu.dma_semaphore, #tpu.memory_space<semaphore_mem>>
        %dma_start3A_155 = arith.constant 0 : i32
        %dma_start3A_156 = tpu.memref_slice %arg5[%add3A_153, %dma_start3A_155] : memref<80000x160xbf16, #tpu.memory_space<hbm>> -> memref<625x160xbf16, #tpu.memory_space<hbm>>
        %dma_start3A_157 = arith.constant 0 : i32
        %dma_start3A_158 = tpu.memref_slice %arg11[%mul3A_150, %dma_start3A_157] : memref<10000x160xbf16, #tpu.memory_space<vmem_shared>> -> memref<625x160xbf16, #tpu.memory_space<vmem_shared>>
        tpu.enqueue_dma source(%dma_start3A_158 : memref<625x160xbf16, #tpu.memory_space<vmem_shared>>) target(%dma_start3A_156 : memref<625x160xbf16, #tpu.memory_space<hbm>>) target_semaphore(%run_scoped3A : memref<!tpu.dma_semaphore, #tpu.memory_space<semaphore_mem>>)
        %dma_wait3A_159 = arith.constant 0 : i32
        %dma_wait3A_160 = tpu.memref_slice %arg5[%add3A_153, %dma_wait3A_159] : memref<80000x160xbf16, #tpu.memory_space<hbm>> -> memref<625x160xbf16, #tpu.memory_space<hbm>>
        %dma_wait3A_161 = arith.constant 0 : i32
        %dma_wait3A_162 = tpu.memref_slice %arg11[%mul3A_150, %dma_wait3A_161] : memref<10000x160xbf16, #tpu.memory_space<vmem_shared>> -> memref<625x160xbf16, #tpu.memory_space<vmem_shared>>
        tpu.wait_dma2 semaphore(%run_scoped3A : memref<!tpu.dma_semaphore, #tpu.memory_space<semaphore_mem>>) src(%dma_wait3A_162 : memref<625x160xbf16, #tpu.memory_space<vmem_shared>>) dst(%dma_wait3A_160 : memref<625x160xbf16, #tpu.memory_space<hbm>>)
        tpu.yield
      }) : () -> ()
      %scan3A_154 = arith.constant 0 : i32
      scf.yield %scan3A_154 : i32
    }
    %scan3A_20 = arith.constant 4 : i32
    return
  }
}

module attributes {stable_mosaic.version = 14 : i64} {
  func.func @_tc_body(%arg0: i32, %arg1: memref<1000x1280xbf16, #tpu.memory_space<vmem>>, %arg2: memref<1000x1xi32, #tpu.memory_space<vmem>>, %arg3: memref<128x128xf32, #tpu.memory_space<vmem>>, %arg4: memref<1x128xf32, #tpu.memory_space<vmem>>, %arg5: memref<1x128xf32, #tpu.memory_space<vmem>>, %arg6: memref<1x1xf32, #tpu.memory_space<vmem>>, %arg7: memref<8x9xf32, #tpu.memory_space<vmem>>, %arg8: memref<8x9xf32, #tpu.memory_space<vmem>>, %arg9: memref<8x9xf32, #tpu.memory_space<vmem>>) attributes {dimension_semantics = [#tpu.dimension_semantics<arbitrary>], iteration_bounds = array<i64: 10>, scalar_prefetch = 0 : i64, scratch_operands = 2 : i64, tpu.core_type = #tpu.core_type<tc>, window_params = [{transform_indices = @transform_0, window_bounds = array<i64: 1000, 1280>}, {transform_indices = @transform_1, window_bounds = array<i64: 1000, 1>}, {pipeline_mode = #tpu.pipeline_mode<synchronous>, transform_indices = @transform_2, window_bounds = array<i64: 128, 128>}, {pipeline_mode = #tpu.pipeline_mode<synchronous>, transform_indices = @transform_3, window_bounds = array<i64: 1, 128>}, {pipeline_mode = #tpu.pipeline_mode<synchronous>, transform_indices = @transform_4, window_bounds = array<i64: 1, 128>}, {pipeline_mode = #tpu.pipeline_mode<synchronous>, transform_indices = @transform_5, window_bounds = array<i64: 1, 1>}, {pipeline_mode = #tpu.pipeline_mode<synchronous>, transform_indices = @transform_6, window_bounds = array<i64: 8, 9>}]} {
    %eq3A = arith.constant 0 : i32
    %eq3A_0 = arith.cmpi eq, %arg0, %eq3A : i32
    %convert_element_type3A = arith.extui %eq3A_0 : i1 to i32
    %cond3A = arith.constant 0 : i32
    %cond3A_1 = arith.cmpi ne, %convert_element_type3A, %cond3A : i32
    scf.if %cond3A_1 {
      %broadcast_in_dim3A_336 = arith.constant 0.000000e+00 : f32
      %broadcast_in_dim3A_337 = vector.broadcast %broadcast_in_dim3A_336 : f32 to vector<8x9xf32>
      %swap3A_338 = arith.constant 0 : index
      %swap3A_339 = arith.constant 0 : index
      %swap3A_340 = vector.load %arg8[%swap3A_338, %swap3A_339] : memref<8x9xf32, #tpu.memory_space<vmem>>, vector<8x9xf32>
      tpu.vector_store %arg8[%swap3A_338, %swap3A_339], %broadcast_in_dim3A_337 {strides = array<i32>} : memref<8x9xf32, #tpu.memory_space<vmem>>, vector<8x9xf32>,
      %broadcast_in_dim3A_341 = arith.constant 0.000000e+00 : f32
      %broadcast_in_dim3A_342 = vector.broadcast %broadcast_in_dim3A_341 : f32 to vector<8x9xf32>
      %swap3A_343 = arith.constant 0 : index
      %swap3A_344 = arith.constant 0 : index
      %swap3A_345 = vector.load %arg9[%swap3A_343, %swap3A_344] : memref<8x9xf32, #tpu.memory_space<vmem>>, vector<8x9xf32>
      tpu.vector_store %arg9[%swap3A_343, %swap3A_344], %broadcast_in_dim3A_342 {strides = array<i32>} : memref<8x9xf32, #tpu.memory_space<vmem>>, vector<8x9xf32>,
    } else {
    }
    %get3A = arith.constant 0 : index
    %get3A_2 = arith.constant 0 : index
    %get3A_3 = vector.load %arg1[%get3A, %get3A_2] : memref<1000x1280xbf16, #tpu.memory_space<vmem>>, vector<1000x1280xbf16>
    %convert_element_type3A_4 = arith.extf %get3A_3 : vector<1000x1280xbf16> to vector<1000x1280xf32>
    %slice3A = vector.extract_strided_slice %convert_element_type3A_4 {offsets = [0, 0], sizes = [1000, 1152], strides = [1, 1]} : vector<1000x1280xf32> to vector<1000x1152xf32>
    %reshape3A = vector.shape_cast %slice3A : vector<1000x1152xf32> to vector<1000x9x128xf32>
    %slice3A_5 = vector.extract_strided_slice %convert_element_type3A_4 {offsets = [0, 1152], sizes = [1000, 1], strides = [1, 1]} : vector<1000x1280xf32> to vector<1000x1xf32>
    %squeeze3A = vector.shape_cast %slice3A_5 : vector<1000x1xf32> to vector<1000xf32>
    %max3A = arith.constant 1.000000e+00 : f32
    %max3A_6 = vector.broadcast %max3A : f32 to vector<1000xf32>
    %max3A_7 = arith.maximumf %squeeze3A, %max3A_6 : vector<1000xf32>
    %div3A = arith.constant 1.000000e+00 : f32
    %div3A_8 = vector.broadcast %div3A : f32 to vector<1000xf32>
    %div3A_9 = arith.divf %div3A_8, %max3A_7 : vector<1000xf32>
    %broadcast_in_dim3A = vector.shape_cast %div3A_9 : vector<1000xf32> to vector<1000x1x1xf32>
    %mul3A = vector.broadcast %broadcast_in_dim3A : vector<1000x1x1xf32> to vector<1000x9x128xf32>
    %mul3A_10 = arith.mulf %reshape3A, %mul3A : vector<1000x9x128xf32>
    %reshape3A_11 = vector.shape_cast %mul3A_10 : vector<1000x9x128xf32> to vector<9000x128xf32>
    %get3A_12 = arith.constant 0 : index
    %get3A_13 = arith.constant 0 : index
    %get3A_14 = vector.load %arg3[%get3A_12, %get3A_13] : memref<128x128xf32, #tpu.memory_space<vmem>>, vector<128x128xf32>
    %dot_general3A = arith.constant dense<0.000000e+00> : vector<9000x128xf32>
    %dot_general3A_15 = tpu.matmul %reshape3A_11, %get3A_14, %dot_general3A {dimension_numbers = #tpu.dot_dimension_numbers<[1], [0], [0], [1], [0, 0, 1, 1], [], []>, transpose_lhs_hint = false} : vector<9000x128xf32>, vector<128x128xf32>, vector<9000x128xf32> -> vector<9000x128xf32>
    %get3A_16 = arith.constant 0 : index
    %get3A_17 = arith.constant 0 : index
    %get3A_18 = vector.load %arg4[%get3A_16, %get3A_17] : memref<1x128xf32, #tpu.memory_space<vmem>>, vector<1x128xf32>
    %add3A = vector.broadcast %get3A_18 : vector<1x128xf32> to vector<9000x128xf32>
    %add3A_19 = arith.addf %dot_general3A_15, %add3A : vector<9000x128xf32>
    %logistic3A = arith.negf %add3A_19 : vector<9000x128xf32>
    %logistic3A_20 = math.exp %logistic3A : vector<9000x128xf32>
    %logistic3A_21 = arith.constant 1.000000e+00 : f32
    %logistic3A_22 = vector.broadcast %logistic3A_21 : f32 to vector<9000x128xf32>
    %logistic3A_23 = arith.addf %logistic3A_22, %logistic3A_20 : vector<9000x128xf32>
    %logistic3A_24 = arith.divf %logistic3A_22, %logistic3A_23 : vector<9000x128xf32>
    %mul3A_25 = arith.mulf %add3A_19, %logistic3A_24 : vector<9000x128xf32>
    %reshape3A_26 = vector.shape_cast %mul3A_25 : vector<9000x128xf32> to vector<1000x9x128xf32>
    %get3A_27 = arith.constant 0 : index
    %get3A_28 = arith.constant 0 : index
    %get3A_29 = vector.load %arg5[%get3A_27, %get3A_28] : memref<1x128xf32, #tpu.memory_space<vmem>>, vector<1x128xf32>
    %reshape3A_30 = vector.shape_cast %get3A_29 : vector<1x128xf32> to vector<1x1x128xf32>
    %mul3A_31 = vector.broadcast %reshape3A_30 : vector<1x1x128xf32> to vector<1000x9x128xf32>
    %mul3A_32 = arith.mulf %reshape3A_26, %mul3A_31 : vector<1000x9x128xf32>
    %reduce_sum3A = arith.constant dense<0.000000e+00> : vector<1000x9xf32>
    %reduce_sum3A_33 = vector.multi_reduction <add>, %mul3A_32, %reduce_sum3A [2] : vector<1000x9x128xf32> to vector<1000x9xf32>
    %get3A_34 = arith.constant 0 : index
    %get3A_35 = arith.constant 0 : index
    %get3A_36 = vector.load %arg6[%get3A_34, %get3A_35] : memref<1x1xf32, #tpu.memory_space<vmem>>, vector<1x1xf32>
    %get3A_37 = vector.extract %get3A_36[0, 0] : f32 from vector<1x1xf32>
    %add3A_38 = vector.broadcast %get3A_37 : f32 to vector<1000x9xf32>
    %add3A_39 = arith.addf %reduce_sum3A_33, %add3A_38 : vector<1000x9xf32>
    %get3A_40 = arith.constant 0 : index
    %get3A_41 = arith.constant 0 : index
    %get3A_42 = vector.load %arg2[%get3A_40, %get3A_41] : memref<1000x1xi32, #tpu.memory_space<vmem>>, vector<1000x1xi32>
    %squeeze3A_43 = vector.shape_cast %get3A_42 : vector<1000x1xi32> to vector<1000xi32>
    %eq3A_44 = arith.constant 0 : i32
    %eq3A_45 = vector.broadcast %eq3A_44 : i32 to vector<1000xi32>
    %eq3A_46 = arith.cmpi eq, %squeeze3A_43, %eq3A_45 : vector<1000xi32>
    %convert_element_type3A_47 = arith.extui %eq3A_46 : vector<1000xi1> to vector<1000xi32>
    %convert_element_type3A_48 = arith.sitofp %convert_element_type3A_47 : vector<1000xi32> to vector<1000xf32>
    %get3A_49 = arith.constant 0 : index
    %get3A_50 = arith.constant 0 : index
    %get3A_51 = vector.load %arg8[%get3A_49, %get3A_50] : memref<8x9xf32, #tpu.memory_space<vmem>>, vector<1x9xf32>
    %get3A_52 = vector.shape_cast %get3A_51 : vector<1x9xf32> to vector<9xf32>
    %broadcast_in_dim3A_53 = vector.shape_cast %convert_element_type3A_48 : vector<1000xf32> to vector<1000x1xf32>
    %mul3A_54 = vector.broadcast %broadcast_in_dim3A_53 : vector<1000x1xf32> to vector<1000x9xf32>
    %mul3A_55 = arith.mulf %add3A_39, %mul3A_54 : vector<1000x9xf32>
    %reduce_sum3A_56 = arith.constant dense<0.000000e+00> : vector<9xf32>
    %reduce_sum3A_57 = vector.multi_reduction <add>, %mul3A_55, %reduce_sum3A_56 [0] : vector<1000x9xf32> to vector<9xf32>
    %add3A_58 = arith.addf %get3A_52, %reduce_sum3A_57 : vector<9xf32>
    %swap3A = arith.constant 0 : index
    %swap3A_59 = arith.constant 0 : index
    %swap3A_60 = vector.load %arg8[%swap3A, %swap3A_59] : memref<8x9xf32, #tpu.memory_space<vmem>>, vector<1x9xf32>
    %swap3A_61 = vector.shape_cast %swap3A_60 : vector<1x9xf32> to vector<9xf32>
    %swap3A_62 = vector.shape_cast %add3A_58 : vector<9xf32> to vector<1x9xf32>
    tpu.vector_store %arg8[%swap3A, %swap3A_59], %swap3A_62 {strides = array<i32>} : memref<8x9xf32, #tpu.memory_space<vmem>>, vector<1x9xf32>,
    %get3A_63 = arith.constant 0 : index
    %get3A_64 = arith.constant 0 : index
    %get3A_65 = vector.load %arg9[%get3A_63, %get3A_64] : memref<8x9xf32, #tpu.memory_space<vmem>>, vector<1x9xf32>
    %get3A_66 = vector.shape_cast %get3A_65 : vector<1x9xf32> to vector<9xf32>
    %reduce_sum3A_67 = vector.shape_cast %convert_element_type3A_48 : vector<1000xf32> to vector<1x1000xf32>
    %reduce_sum3A_68 = arith.constant dense<0.000000e+00> : vector<1xf32>
    %reduce_sum3A_69 = vector.multi_reduction <add>, %reduce_sum3A_67, %reduce_sum3A_68 [1] : vector<1x1000xf32> to vector<1xf32>
    %reduce_sum3A_70 = vector.shape_cast %reduce_sum3A_69 : vector<1xf32> to vector<1x1xf32>
    %reduce_sum3A_71 = vector.extract %reduce_sum3A_70[0, 0] : f32 from vector<1x1xf32>
    %add3A_72 = vector.broadcast %reduce_sum3A_71 : f32 to vector<9xf32>
    %add3A_73 = arith.addf %get3A_66, %add3A_72 : vector<9xf32>
    %swap3A_74 = arith.constant 0 : index
    %swap3A_75 = arith.constant 0 : index
    %swap3A_76 = vector.load %arg9[%swap3A_74, %swap3A_75] : memref<8x9xf32, #tpu.memory_space<vmem>>, vector<1x9xf32>
    %swap3A_77 = vector.shape_cast %swap3A_76 : vector<1x9xf32> to vector<9xf32>
    %swap3A_78 = vector.shape_cast %add3A_73 : vector<9xf32> to vector<1x9xf32>
    tpu.vector_store %arg9[%swap3A_74, %swap3A_75], %swap3A_78 {strides = array<i32>} : memref<8x9xf32, #tpu.memory_space<vmem>>, vector<1x9xf32>,
    %eq3A_79 = arith.constant 1 : i32
    %eq3A_80 = vector.broadcast %eq3A_79 : i32 to vector<1000xi32>
    %eq3A_81 = arith.cmpi eq, %squeeze3A_43, %eq3A_80 : vector<1000xi32>
    %convert_element_type3A_82 = arith.extui %eq3A_81 : vector<1000xi1> to vector<1000xi32>
    %convert_element_type3A_83 = arith.sitofp %convert_element_type3A_82 : vector<1000xi32> to vector<1000xf32>
    %get3A_84 = arith.constant 1 : index
    %get3A_85 = arith.constant 0 : index
    %get3A_86 = vector.load %arg8[%get3A_84, %get3A_85] : memref<8x9xf32, #tpu.memory_space<vmem>>, vector<1x9xf32>
    %get3A_87 = vector.shape_cast %get3A_86 : vector<1x9xf32> to vector<9xf32>
    %broadcast_in_dim3A_88 = vector.shape_cast %convert_element_type3A_83 : vector<1000xf32> to vector<1000x1xf32>
    %mul3A_89 = vector.broadcast %broadcast_in_dim3A_88 : vector<1000x1xf32> to vector<1000x9xf32>
    %mul3A_90 = arith.mulf %add3A_39, %mul3A_89 : vector<1000x9xf32>
    %reduce_sum3A_91 = arith.constant dense<0.000000e+00> : vector<9xf32>
    %reduce_sum3A_92 = vector.multi_reduction <add>, %mul3A_90, %reduce_sum3A_91 [0] : vector<1000x9xf32> to vector<9xf32>
    %add3A_93 = arith.addf %get3A_87, %reduce_sum3A_92 : vector<9xf32>
    %swap3A_94 = arith.constant 1 : index
    %swap3A_95 = arith.constant 0 : index
    %swap3A_96 = vector.load %arg8[%swap3A_94, %swap3A_95] : memref<8x9xf32, #tpu.memory_space<vmem>>, vector<1x9xf32>
    %swap3A_97 = vector.shape_cast %swap3A_96 : vector<1x9xf32> to vector<9xf32>
    %swap3A_98 = vector.shape_cast %add3A_93 : vector<9xf32> to vector<1x9xf32>
    tpu.vector_store %arg8[%swap3A_94, %swap3A_95], %swap3A_98 {strides = array<i32>} : memref<8x9xf32, #tpu.memory_space<vmem>>, vector<1x9xf32>,
    %get3A_99 = arith.constant 1 : index
    %get3A_100 = arith.constant 0 : index
    %get3A_101 = vector.load %arg9[%get3A_99, %get3A_100] : memref<8x9xf32, #tpu.memory_space<vmem>>, vector<1x9xf32>
    %get3A_102 = vector.shape_cast %get3A_101 : vector<1x9xf32> to vector<9xf32>
    %reduce_sum3A_103 = vector.shape_cast %convert_element_type3A_83 : vector<1000xf32> to vector<1x1000xf32>
    %reduce_sum3A_104 = arith.constant dense<0.000000e+00> : vector<1xf32>
    %reduce_sum3A_105 = vector.multi_reduction <add>, %reduce_sum3A_103, %reduce_sum3A_104 [1] : vector<1x1000xf32> to vector<1xf32>
    %reduce_sum3A_106 = vector.shape_cast %reduce_sum3A_105 : vector<1xf32> to vector<1x1xf32>
    %reduce_sum3A_107 = vector.extract %reduce_sum3A_106[0, 0] : f32 from vector<1x1xf32>
    %add3A_108 = vector.broadcast %reduce_sum3A_107 : f32 to vector<9xf32>
    %add3A_109 = arith.addf %get3A_102, %add3A_108 : vector<9xf32>
    %swap3A_110 = arith.constant 1 : index
    %swap3A_111 = arith.constant 0 : index
    %swap3A_112 = vector.load %arg9[%swap3A_110, %swap3A_111] : memref<8x9xf32, #tpu.memory_space<vmem>>, vector<1x9xf32>
    %swap3A_113 = vector.shape_cast %swap3A_112 : vector<1x9xf32> to vector<9xf32>
    %swap3A_114 = vector.shape_cast %add3A_109 : vector<9xf32> to vector<1x9xf32>
    tpu.vector_store %arg9[%swap3A_110, %swap3A_111], %swap3A_114 {strides = array<i32>} : memref<8x9xf32, #tpu.memory_space<vmem>>, vector<1x9xf32>,
    %eq3A_115 = arith.constant 2 : i32
    %eq3A_116 = vector.broadcast %eq3A_115 : i32 to vector<1000xi32>
    %eq3A_117 = arith.cmpi eq, %squeeze3A_43, %eq3A_116 : vector<1000xi32>
    %convert_element_type3A_118 = arith.extui %eq3A_117 : vector<1000xi1> to vector<1000xi32>
    %convert_element_type3A_119 = arith.sitofp %convert_element_type3A_118 : vector<1000xi32> to vector<1000xf32>
    %get3A_120 = arith.constant 2 : index
    %get3A_121 = arith.constant 0 : index
    %get3A_122 = vector.load %arg8[%get3A_120, %get3A_121] : memref<8x9xf32, #tpu.memory_space<vmem>>, vector<1x9xf32>
    %get3A_123 = vector.shape_cast %get3A_122 : vector<1x9xf32> to vector<9xf32>
    %broadcast_in_dim3A_124 = vector.shape_cast %convert_element_type3A_119 : vector<1000xf32> to vector<1000x1xf32>
    %mul3A_125 = vector.broadcast %broadcast_in_dim3A_124 : vector<1000x1xf32> to vector<1000x9xf32>
    %mul3A_126 = arith.mulf %add3A_39, %mul3A_125 : vector<1000x9xf32>
    %reduce_sum3A_127 = arith.constant dense<0.000000e+00> : vector<9xf32>
    %reduce_sum3A_128 = vector.multi_reduction <add>, %mul3A_126, %reduce_sum3A_127 [0] : vector<1000x9xf32> to vector<9xf32>
    %add3A_129 = arith.addf %get3A_123, %reduce_sum3A_128 : vector<9xf32>
    %swap3A_130 = arith.constant 2 : index
    %swap3A_131 = arith.constant 0 : index
    %swap3A_132 = vector.load %arg8[%swap3A_130, %swap3A_131] : memref<8x9xf32, #tpu.memory_space<vmem>>, vector<1x9xf32>
    %swap3A_133 = vector.shape_cast %swap3A_132 : vector<1x9xf32> to vector<9xf32>
    %swap3A_134 = vector.shape_cast %add3A_129 : vector<9xf32> to vector<1x9xf32>
    tpu.vector_store %arg8[%swap3A_130, %swap3A_131], %swap3A_134 {strides = array<i32>} : memref<8x9xf32, #tpu.memory_space<vmem>>, vector<1x9xf32>,
    %get3A_135 = arith.constant 2 : index
    %get3A_136 = arith.constant 0 : index
    %get3A_137 = vector.load %arg9[%get3A_135, %get3A_136] : memref<8x9xf32, #tpu.memory_space<vmem>>, vector<1x9xf32>
    %get3A_138 = vector.shape_cast %get3A_137 : vector<1x9xf32> to vector<9xf32>
    %reduce_sum3A_139 = vector.shape_cast %convert_element_type3A_119 : vector<1000xf32> to vector<1x1000xf32>
    %reduce_sum3A_140 = arith.constant dense<0.000000e+00> : vector<1xf32>
    %reduce_sum3A_141 = vector.multi_reduction <add>, %reduce_sum3A_139, %reduce_sum3A_140 [1] : vector<1x1000xf32> to vector<1xf32>
    %reduce_sum3A_142 = vector.shape_cast %reduce_sum3A_141 : vector<1xf32> to vector<1x1xf32>
    %reduce_sum3A_143 = vector.extract %reduce_sum3A_142[0, 0] : f32 from vector<1x1xf32>
    %add3A_144 = vector.broadcast %reduce_sum3A_143 : f32 to vector<9xf32>
    %add3A_145 = arith.addf %get3A_138, %add3A_144 : vector<9xf32>
    %swap3A_146 = arith.constant 2 : index
    %swap3A_147 = arith.constant 0 : index
    %swap3A_148 = vector.load %arg9[%swap3A_146, %swap3A_147] : memref<8x9xf32, #tpu.memory_space<vmem>>, vector<1x9xf32>
    %swap3A_149 = vector.shape_cast %swap3A_148 : vector<1x9xf32> to vector<9xf32>
    %swap3A_150 = vector.shape_cast %add3A_145 : vector<9xf32> to vector<1x9xf32>
    tpu.vector_store %arg9[%swap3A_146, %swap3A_147], %swap3A_150 {strides = array<i32>} : memref<8x9xf32, #tpu.memory_space<vmem>>, vector<1x9xf32>,
    %eq3A_151 = arith.constant 3 : i32
    %eq3A_152 = vector.broadcast %eq3A_151 : i32 to vector<1000xi32>
    %eq3A_153 = arith.cmpi eq, %squeeze3A_43, %eq3A_152 : vector<1000xi32>
    %convert_element_type3A_154 = arith.extui %eq3A_153 : vector<1000xi1> to vector<1000xi32>
    %convert_element_type3A_155 = arith.sitofp %convert_element_type3A_154 : vector<1000xi32> to vector<1000xf32>
    %get3A_156 = arith.constant 3 : index
    %get3A_157 = arith.constant 0 : index
    %get3A_158 = vector.load %arg8[%get3A_156, %get3A_157] : memref<8x9xf32, #tpu.memory_space<vmem>>, vector<1x9xf32>
    %get3A_159 = vector.shape_cast %get3A_158 : vector<1x9xf32> to vector<9xf32>
    %broadcast_in_dim3A_160 = vector.shape_cast %convert_element_type3A_155 : vector<1000xf32> to vector<1000x1xf32>
    %mul3A_161 = vector.broadcast %broadcast_in_dim3A_160 : vector<1000x1xf32> to vector<1000x9xf32>
    %mul3A_162 = arith.mulf %add3A_39, %mul3A_161 : vector<1000x9xf32>
    %reduce_sum3A_163 = arith.constant dense<0.000000e+00> : vector<9xf32>
    %reduce_sum3A_164 = vector.multi_reduction <add>, %mul3A_162, %reduce_sum3A_163 [0] : vector<1000x9xf32> to vector<9xf32>
    %add3A_165 = arith.addf %get3A_159, %reduce_sum3A_164 : vector<9xf32>
    %swap3A_166 = arith.constant 3 : index
    %swap3A_167 = arith.constant 0 : index
    %swap3A_168 = vector.load %arg8[%swap3A_166, %swap3A_167] : memref<8x9xf32, #tpu.memory_space<vmem>>, vector<1x9xf32>
    %swap3A_169 = vector.shape_cast %swap3A_168 : vector<1x9xf32> to vector<9xf32>
    %swap3A_170 = vector.shape_cast %add3A_165 : vector<9xf32> to vector<1x9xf32>
    tpu.vector_store %arg8[%swap3A_166, %swap3A_167], %swap3A_170 {strides = array<i32>} : memref<8x9xf32, #tpu.memory_space<vmem>>, vector<1x9xf32>,
    %get3A_171 = arith.constant 3 : index
    %get3A_172 = arith.constant 0 : index
    %get3A_173 = vector.load %arg9[%get3A_171, %get3A_172] : memref<8x9xf32, #tpu.memory_space<vmem>>, vector<1x9xf32>
    %get3A_174 = vector.shape_cast %get3A_173 : vector<1x9xf32> to vector<9xf32>
    %reduce_sum3A_175 = vector.shape_cast %convert_element_type3A_155 : vector<1000xf32> to vector<1x1000xf32>
    %reduce_sum3A_176 = arith.constant dense<0.000000e+00> : vector<1xf32>
    %reduce_sum3A_177 = vector.multi_reduction <add>, %reduce_sum3A_175, %reduce_sum3A_176 [1] : vector<1x1000xf32> to vector<1xf32>
    %reduce_sum3A_178 = vector.shape_cast %reduce_sum3A_177 : vector<1xf32> to vector<1x1xf32>
    %reduce_sum3A_179 = vector.extract %reduce_sum3A_178[0, 0] : f32 from vector<1x1xf32>
    %add3A_180 = vector.broadcast %reduce_sum3A_179 : f32 to vector<9xf32>
    %add3A_181 = arith.addf %get3A_174, %add3A_180 : vector<9xf32>
    %swap3A_182 = arith.constant 3 : index
    %swap3A_183 = arith.constant 0 : index
    %swap3A_184 = vector.load %arg9[%swap3A_182, %swap3A_183] : memref<8x9xf32, #tpu.memory_space<vmem>>, vector<1x9xf32>
    %swap3A_185 = vector.shape_cast %swap3A_184 : vector<1x9xf32> to vector<9xf32>
    %swap3A_186 = vector.shape_cast %add3A_181 : vector<9xf32> to vector<1x9xf32>
    tpu.vector_store %arg9[%swap3A_182, %swap3A_183], %swap3A_186 {strides = array<i32>} : memref<8x9xf32, #tpu.memory_space<vmem>>, vector<1x9xf32>,
    %eq3A_187 = arith.constant 4 : i32
    %eq3A_188 = vector.broadcast %eq3A_187 : i32 to vector<1000xi32>
    %eq3A_189 = arith.cmpi eq, %squeeze3A_43, %eq3A_188 : vector<1000xi32>
    %convert_element_type3A_190 = arith.extui %eq3A_189 : vector<1000xi1> to vector<1000xi32>
    %convert_element_type3A_191 = arith.sitofp %convert_element_type3A_190 : vector<1000xi32> to vector<1000xf32>
    %get3A_192 = arith.constant 4 : index
    %get3A_193 = arith.constant 0 : index
    %get3A_194 = vector.load %arg8[%get3A_192, %get3A_193] : memref<8x9xf32, #tpu.memory_space<vmem>>, vector<1x9xf32>
    %get3A_195 = vector.shape_cast %get3A_194 : vector<1x9xf32> to vector<9xf32>
    %broadcast_in_dim3A_196 = vector.shape_cast %convert_element_type3A_191 : vector<1000xf32> to vector<1000x1xf32>
    %mul3A_197 = vector.broadcast %broadcast_in_dim3A_196 : vector<1000x1xf32> to vector<1000x9xf32>
    %mul3A_198 = arith.mulf %add3A_39, %mul3A_197 : vector<1000x9xf32>
    %reduce_sum3A_199 = arith.constant dense<0.000000e+00> : vector<9xf32>
    %reduce_sum3A_200 = vector.multi_reduction <add>, %mul3A_198, %reduce_sum3A_199 [0] : vector<1000x9xf32> to vector<9xf32>
    %add3A_201 = arith.addf %get3A_195, %reduce_sum3A_200 : vector<9xf32>
    %swap3A_202 = arith.constant 4 : index
    %swap3A_203 = arith.constant 0 : index
    %swap3A_204 = vector.load %arg8[%swap3A_202, %swap3A_203] : memref<8x9xf32, #tpu.memory_space<vmem>>, vector<1x9xf32>
    %swap3A_205 = vector.shape_cast %swap3A_204 : vector<1x9xf32> to vector<9xf32>
    %swap3A_206 = vector.shape_cast %add3A_201 : vector<9xf32> to vector<1x9xf32>
    tpu.vector_store %arg8[%swap3A_202, %swap3A_203], %swap3A_206 {strides = array<i32>} : memref<8x9xf32, #tpu.memory_space<vmem>>, vector<1x9xf32>,
    %get3A_207 = arith.constant 4 : index
    %get3A_208 = arith.constant 0 : index
    %get3A_209 = vector.load %arg9[%get3A_207, %get3A_208] : memref<8x9xf32, #tpu.memory_space<vmem>>, vector<1x9xf32>
    %get3A_210 = vector.shape_cast %get3A_209 : vector<1x9xf32> to vector<9xf32>
    %reduce_sum3A_211 = vector.shape_cast %convert_element_type3A_191 : vector<1000xf32> to vector<1x1000xf32>
    %reduce_sum3A_212 = arith.constant dense<0.000000e+00> : vector<1xf32>
    %reduce_sum3A_213 = vector.multi_reduction <add>, %reduce_sum3A_211, %reduce_sum3A_212 [1] : vector<1x1000xf32> to vector<1xf32>
    %reduce_sum3A_214 = vector.shape_cast %reduce_sum3A_213 : vector<1xf32> to vector<1x1xf32>
    %reduce_sum3A_215 = vector.extract %reduce_sum3A_214[0, 0] : f32 from vector<1x1xf32>
    %add3A_216 = vector.broadcast %reduce_sum3A_215 : f32 to vector<9xf32>
    %add3A_217 = arith.addf %get3A_210, %add3A_216 : vector<9xf32>
    %swap3A_218 = arith.constant 4 : index
    %swap3A_219 = arith.constant 0 : index
    %swap3A_220 = vector.load %arg9[%swap3A_218, %swap3A_219] : memref<8x9xf32, #tpu.memory_space<vmem>>, vector<1x9xf32>
    %swap3A_221 = vector.shape_cast %swap3A_220 : vector<1x9xf32> to vector<9xf32>
    %swap3A_222 = vector.shape_cast %add3A_217 : vector<9xf32> to vector<1x9xf32>
    tpu.vector_store %arg9[%swap3A_218, %swap3A_219], %swap3A_222 {strides = array<i32>} : memref<8x9xf32, #tpu.memory_space<vmem>>, vector<1x9xf32>,
    %eq3A_223 = arith.constant 5 : i32
    %eq3A_224 = vector.broadcast %eq3A_223 : i32 to vector<1000xi32>
    %eq3A_225 = arith.cmpi eq, %squeeze3A_43, %eq3A_224 : vector<1000xi32>
    %convert_element_type3A_226 = arith.extui %eq3A_225 : vector<1000xi1> to vector<1000xi32>
    %convert_element_type3A_227 = arith.sitofp %convert_element_type3A_226 : vector<1000xi32> to vector<1000xf32>
    %get3A_228 = arith.constant 5 : index
    %get3A_229 = arith.constant 0 : index
    %get3A_230 = vector.load %arg8[%get3A_228, %get3A_229] : memref<8x9xf32, #tpu.memory_space<vmem>>, vector<1x9xf32>
    %get3A_231 = vector.shape_cast %get3A_230 : vector<1x9xf32> to vector<9xf32>
    %broadcast_in_dim3A_232 = vector.shape_cast %convert_element_type3A_227 : vector<1000xf32> to vector<1000x1xf32>
    %mul3A_233 = vector.broadcast %broadcast_in_dim3A_232 : vector<1000x1xf32> to vector<1000x9xf32>
    %mul3A_234 = arith.mulf %add3A_39, %mul3A_233 : vector<1000x9xf32>
    %reduce_sum3A_235 = arith.constant dense<0.000000e+00> : vector<9xf32>
    %reduce_sum3A_236 = vector.multi_reduction <add>, %mul3A_234, %reduce_sum3A_235 [0] : vector<1000x9xf32> to vector<9xf32>
    %add3A_237 = arith.addf %get3A_231, %reduce_sum3A_236 : vector<9xf32>
    %swap3A_238 = arith.constant 5 : index
    %swap3A_239 = arith.constant 0 : index
    %swap3A_240 = vector.load %arg8[%swap3A_238, %swap3A_239] : memref<8x9xf32, #tpu.memory_space<vmem>>, vector<1x9xf32>
    %swap3A_241 = vector.shape_cast %swap3A_240 : vector<1x9xf32> to vector<9xf32>
    %swap3A_242 = vector.shape_cast %add3A_237 : vector<9xf32> to vector<1x9xf32>
    tpu.vector_store %arg8[%swap3A_238, %swap3A_239], %swap3A_242 {strides = array<i32>} : memref<8x9xf32, #tpu.memory_space<vmem>>, vector<1x9xf32>,
    %get3A_243 = arith.constant 5 : index
    %get3A_244 = arith.constant 0 : index
    %get3A_245 = vector.load %arg9[%get3A_243, %get3A_244] : memref<8x9xf32, #tpu.memory_space<vmem>>, vector<1x9xf32>
    %get3A_246 = vector.shape_cast %get3A_245 : vector<1x9xf32> to vector<9xf32>
    %reduce_sum3A_247 = vector.shape_cast %convert_element_type3A_227 : vector<1000xf32> to vector<1x1000xf32>
    %reduce_sum3A_248 = arith.constant dense<0.000000e+00> : vector<1xf32>
    %reduce_sum3A_249 = vector.multi_reduction <add>, %reduce_sum3A_247, %reduce_sum3A_248 [1] : vector<1x1000xf32> to vector<1xf32>
    %reduce_sum3A_250 = vector.shape_cast %reduce_sum3A_249 : vector<1xf32> to vector<1x1xf32>
    %reduce_sum3A_251 = vector.extract %reduce_sum3A_250[0, 0] : f32 from vector<1x1xf32>
    %add3A_252 = vector.broadcast %reduce_sum3A_251 : f32 to vector<9xf32>
    %add3A_253 = arith.addf %get3A_246, %add3A_252 : vector<9xf32>
    %swap3A_254 = arith.constant 5 : index
    %swap3A_255 = arith.constant 0 : index
    %swap3A_256 = vector.load %arg9[%swap3A_254, %swap3A_255] : memref<8x9xf32, #tpu.memory_space<vmem>>, vector<1x9xf32>
    %swap3A_257 = vector.shape_cast %swap3A_256 : vector<1x9xf32> to vector<9xf32>
    %swap3A_258 = vector.shape_cast %add3A_253 : vector<9xf32> to vector<1x9xf32>
    tpu.vector_store %arg9[%swap3A_254, %swap3A_255], %swap3A_258 {strides = array<i32>} : memref<8x9xf32, #tpu.memory_space<vmem>>, vector<1x9xf32>,
    %eq3A_259 = arith.constant 6 : i32
    %eq3A_260 = vector.broadcast %eq3A_259 : i32 to vector<1000xi32>
    %eq3A_261 = arith.cmpi eq, %squeeze3A_43, %eq3A_260 : vector<1000xi32>
    %convert_element_type3A_262 = arith.extui %eq3A_261 : vector<1000xi1> to vector<1000xi32>
    %convert_element_type3A_263 = arith.sitofp %convert_element_type3A_262 : vector<1000xi32> to vector<1000xf32>
    %get3A_264 = arith.constant 6 : index
    %get3A_265 = arith.constant 0 : index
    %get3A_266 = vector.load %arg8[%get3A_264, %get3A_265] : memref<8x9xf32, #tpu.memory_space<vmem>>, vector<1x9xf32>
    %get3A_267 = vector.shape_cast %get3A_266 : vector<1x9xf32> to vector<9xf32>
    %broadcast_in_dim3A_268 = vector.shape_cast %convert_element_type3A_263 : vector<1000xf32> to vector<1000x1xf32>
    %mul3A_269 = vector.broadcast %broadcast_in_dim3A_268 : vector<1000x1xf32> to vector<1000x9xf32>
    %mul3A_270 = arith.mulf %add3A_39, %mul3A_269 : vector<1000x9xf32>
    %reduce_sum3A_271 = arith.constant dense<0.000000e+00> : vector<9xf32>
    %reduce_sum3A_272 = vector.multi_reduction <add>, %mul3A_270, %reduce_sum3A_271 [0] : vector<1000x9xf32> to vector<9xf32>
    %add3A_273 = arith.addf %get3A_267, %reduce_sum3A_272 : vector<9xf32>
    %swap3A_274 = arith.constant 6 : index
    %swap3A_275 = arith.constant 0 : index
    %swap3A_276 = vector.load %arg8[%swap3A_274, %swap3A_275] : memref<8x9xf32, #tpu.memory_space<vmem>>, vector<1x9xf32>
    %swap3A_277 = vector.shape_cast %swap3A_276 : vector<1x9xf32> to vector<9xf32>
    %swap3A_278 = vector.shape_cast %add3A_273 : vector<9xf32> to vector<1x9xf32>
    tpu.vector_store %arg8[%swap3A_274, %swap3A_275], %swap3A_278 {strides = array<i32>} : memref<8x9xf32, #tpu.memory_space<vmem>>, vector<1x9xf32>,
    %get3A_279 = arith.constant 6 : index
    %get3A_280 = arith.constant 0 : index
    %get3A_281 = vector.load %arg9[%get3A_279, %get3A_280] : memref<8x9xf32, #tpu.memory_space<vmem>>, vector<1x9xf32>
    %get3A_282 = vector.shape_cast %get3A_281 : vector<1x9xf32> to vector<9xf32>
    %reduce_sum3A_283 = vector.shape_cast %convert_element_type3A_263 : vector<1000xf32> to vector<1x1000xf32>
    %reduce_sum3A_284 = arith.constant dense<0.000000e+00> : vector<1xf32>
    %reduce_sum3A_285 = vector.multi_reduction <add>, %reduce_sum3A_283, %reduce_sum3A_284 [1] : vector<1x1000xf32> to vector<1xf32>
    %reduce_sum3A_286 = vector.shape_cast %reduce_sum3A_285 : vector<1xf32> to vector<1x1xf32>
    %reduce_sum3A_287 = vector.extract %reduce_sum3A_286[0, 0] : f32 from vector<1x1xf32>
    %add3A_288 = vector.broadcast %reduce_sum3A_287 : f32 to vector<9xf32>
    %add3A_289 = arith.addf %get3A_282, %add3A_288 : vector<9xf32>
    %swap3A_290 = arith.constant 6 : index
    %swap3A_291 = arith.constant 0 : index
    %swap3A_292 = vector.load %arg9[%swap3A_290, %swap3A_291] : memref<8x9xf32, #tpu.memory_space<vmem>>, vector<1x9xf32>
    %swap3A_293 = vector.shape_cast %swap3A_292 : vector<1x9xf32> to vector<9xf32>
    %swap3A_294 = vector.shape_cast %add3A_289 : vector<9xf32> to vector<1x9xf32>
    tpu.vector_store %arg9[%swap3A_290, %swap3A_291], %swap3A_294 {strides = array<i32>} : memref<8x9xf32, #tpu.memory_space<vmem>>, vector<1x9xf32>,
    %eq3A_295 = arith.constant 7 : i32
    %eq3A_296 = vector.broadcast %eq3A_295 : i32 to vector<1000xi32>
    %eq3A_297 = arith.cmpi eq, %squeeze3A_43, %eq3A_296 : vector<1000xi32>
    %convert_element_type3A_298 = arith.extui %eq3A_297 : vector<1000xi1> to vector<1000xi32>
    %convert_element_type3A_299 = arith.sitofp %convert_element_type3A_298 : vector<1000xi32> to vector<1000xf32>
    %get3A_300 = arith.constant 7 : index
    %get3A_301 = arith.constant 0 : index
    %get3A_302 = vector.load %arg8[%get3A_300, %get3A_301] : memref<8x9xf32, #tpu.memory_space<vmem>>, vector<1x9xf32>
    %get3A_303 = vector.shape_cast %get3A_302 : vector<1x9xf32> to vector<9xf32>
    %broadcast_in_dim3A_304 = vector.shape_cast %convert_element_type3A_299 : vector<1000xf32> to vector<1000x1xf32>
    %mul3A_305 = vector.broadcast %broadcast_in_dim3A_304 : vector<1000x1xf32> to vector<1000x9xf32>
    %mul3A_306 = arith.mulf %add3A_39, %mul3A_305 : vector<1000x9xf32>
    %reduce_sum3A_307 = arith.constant dense<0.000000e+00> : vector<9xf32>
    %reduce_sum3A_308 = vector.multi_reduction <add>, %mul3A_306, %reduce_sum3A_307 [0] : vector<1000x9xf32> to vector<9xf32>
    %add3A_309 = arith.addf %get3A_303, %reduce_sum3A_308 : vector<9xf32>
    %swap3A_310 = arith.constant 7 : index
    %swap3A_311 = arith.constant 0 : index
    %swap3A_312 = vector.load %arg8[%swap3A_310, %swap3A_311] : memref<8x9xf32, #tpu.memory_space<vmem>>, vector<1x9xf32>
    %swap3A_313 = vector.shape_cast %swap3A_312 : vector<1x9xf32> to vector<9xf32>
    %swap3A_314 = vector.shape_cast %add3A_309 : vector<9xf32> to vector<1x9xf32>
    tpu.vector_store %arg8[%swap3A_310, %swap3A_311], %swap3A_314 {strides = array<i32>} : memref<8x9xf32, #tpu.memory_space<vmem>>, vector<1x9xf32>,
    %get3A_315 = arith.constant 7 : index
    %get3A_316 = arith.constant 0 : index
    %get3A_317 = vector.load %arg9[%get3A_315, %get3A_316] : memref<8x9xf32, #tpu.memory_space<vmem>>, vector<1x9xf32>
    %get3A_318 = vector.shape_cast %get3A_317 : vector<1x9xf32> to vector<9xf32>
    %reduce_sum3A_319 = vector.shape_cast %convert_element_type3A_299 : vector<1000xf32> to vector<1x1000xf32>
    %reduce_sum3A_320 = arith.constant dense<0.000000e+00> : vector<1xf32>
    %reduce_sum3A_321 = vector.multi_reduction <add>, %reduce_sum3A_319, %reduce_sum3A_320 [1] : vector<1x1000xf32> to vector<1xf32>
    %reduce_sum3A_322 = vector.shape_cast %reduce_sum3A_321 : vector<1xf32> to vector<1x1xf32>
    %reduce_sum3A_323 = vector.extract %reduce_sum3A_322[0, 0] : f32 from vector<1x1xf32>
    %add3A_324 = vector.broadcast %reduce_sum3A_323 : f32 to vector<9xf32>
    %add3A_325 = arith.addf %get3A_318, %add3A_324 : vector<9xf32>
    %swap3A_326 = arith.constant 7 : index
    %swap3A_327 = arith.constant 0 : index
    %swap3A_328 = vector.load %arg9[%swap3A_326, %swap3A_327] : memref<8x9xf32, #tpu.memory_space<vmem>>, vector<1x9xf32>
    %swap3A_329 = vector.shape_cast %swap3A_328 : vector<1x9xf32> to vector<9xf32>
    %swap3A_330 = vector.shape_cast %add3A_325 : vector<9xf32> to vector<1x9xf32>
    tpu.vector_store %arg9[%swap3A_326, %swap3A_327], %swap3A_330 {strides = array<i32>} : memref<8x9xf32, #tpu.memory_space<vmem>>, vector<1x9xf32>,
    %eq3A_331 = arith.constant 9 : i32
    %eq3A_332 = arith.cmpi eq, %arg0, %eq3A_331 : i32
    %convert_element_type3A_333 = arith.extui %eq3A_332 : i1 to i32
    %cond3A_334 = arith.constant 0 : i32
    %cond3A_335 = arith.cmpi ne, %convert_element_type3A_333, %cond3A_334 : i32
    scf.if %cond3A_335 {
      %get3A_336 = arith.constant 0 : index
      %get3A_337 = arith.constant 0 : index
      %get3A_338 = vector.load %arg8[%get3A_336, %get3A_337] : memref<8x9xf32, #tpu.memory_space<vmem>>, vector<8x9xf32>
      %get3A_339 = arith.constant 0 : index
      %get3A_340 = arith.constant 0 : index
      %get3A_341 = vector.load %arg9[%get3A_339, %get3A_340] : memref<8x9xf32, #tpu.memory_space<vmem>>, vector<8x9xf32>
      %max3A_342 = arith.constant 1.000000e+00 : f32
      %max3A_343 = vector.broadcast %max3A_342 : f32 to vector<8x9xf32>
      %max3A_344 = arith.maximumf %get3A_341, %max3A_343 : vector<8x9xf32>
      %div3A_345 = arith.divf %get3A_338, %max3A_344 : vector<8x9xf32>
      %swap3A_346 = arith.constant 0 : index
      %swap3A_347 = arith.constant 0 : index
      %swap3A_348 = vector.load %arg7[%swap3A_346, %swap3A_347] : memref<8x9xf32, #tpu.memory_space<vmem>>, vector<8x9xf32>
      tpu.vector_store %arg7[%swap3A_346, %swap3A_347], %div3A_345 {strides = array<i32>} : memref<8x9xf32, #tpu.memory_space<vmem>>, vector<8x9xf32>,
    } else {
    }
    return
  }
  func.func @transform_0(%arg0: i32) -> (i32, i32) {
    %c0_i32 = arith.constant 0 : i32
    %c0_i32_0 = arith.constant 0 : i32
    return %arg0, %c0_i32 : i32, i32
  }
  func.func @transform_1(%arg0: i32) -> (i32, i32) {
    %c0_i32 = arith.constant 0 : i32
    %c0_i32_0 = arith.constant 0 : i32
    return %arg0, %c0_i32 : i32, i32
  }
  func.func @transform_2(%arg0: i32) -> (i32, i32) {
    %c0_i32 = arith.constant 0 : i32
    %c0_i32_0 = arith.constant 0 : i32
    %c0_i32_1 = arith.constant 0 : i32
    return %c0_i32, %c0_i32_0 : i32, i32
  }
  func.func @transform_3(%arg0: i32) -> (i32, i32) {
    %c0_i32 = arith.constant 0 : i32
    %c0_i32_0 = arith.constant 0 : i32
    %c0_i32_1 = arith.constant 0 : i32
    return %c0_i32, %c0_i32_0 : i32, i32
  }
  func.func @transform_4(%arg0: i32) -> (i32, i32) {
    %c0_i32 = arith.constant 0 : i32
    %c0_i32_0 = arith.constant 0 : i32
    %c0_i32_1 = arith.constant 0 : i32
    return %c0_i32, %c0_i32_0 : i32, i32
  }
  func.func @transform_5(%arg0: i32) -> (i32, i32) {
    %c0_i32 = arith.constant 0 : i32
    %c0_i32_0 = arith.constant 0 : i32
    %c0_i32_1 = arith.constant 0 : i32
    return %c0_i32, %c0_i32_0 : i32, i32
  }
  func.func @transform_6(%arg0: i32) -> (i32, i32) {
    %c0_i32 = arith.constant 0 : i32
    %c0_i32_0 = arith.constant 0 : i32
    %c0_i32_1 = arith.constant 0 : i32
    return %c0_i32, %c0_i32_0 : i32, i32
  }
}

</mosaic_0001>

<sc_bundles>
// kernel: kernel.4.cloned.1.call-start
scs
__scs_entry_jumppad:
0x0: {  	(pc) =	sbr.rel $0x88, $3  }
0x1: {  	(tag) =	ssettag $0x0;
	lr =	simm.s32 $0x1  }
0x2: {  	[smem:$0x3F99] =	sst lr;
	_ =	strace $0xD0000000  }
0x3: {  	_ = 	snop  }
0x4: {  	_ = 	snop  }
0x5: {  	_ = 	snop  }
0x6: {  	_ = 	snop  }
0x7: {  	_ = 	snop  }
__scs_overlays_trampoline_lowered:
0x8: {  	[smem:$0x3FA8] =	sst s0  }
0x9: {  	[smem:$0x3FA9] =	sst s1  }
0xa: {  	[smem:$0x3FAA] =	sst s2  }
0xb: {  	[smem:$0x3FAB] =	sst s3  }
0xc: {  	[smem:$0x3FAC] =	sst s4  }
0xd: {  	[smem:$0x3FAD] =	sst s5  }
0xe: {  	[smem:$0x3FAE] =	sst s6  }
0xf: {  	[smem:$0x3FAF] =	sst s7  }
0x10: {  	[smem:$0x3FB0] =	sst s8  }
0x11: {  	[smem:$0x3FB1] =	sst s9;
	s0 =	simm.s32 @!p0 $0x0  }
0x12: {  	s1 =	sld [smem:$0x3F97];
	s0 =	simm.s32 @p0 $0x1  }
0x13: {  	[smem:$0x3FB2] =	sst s0;
	s0 =	simm.s32 @!p1 $0x0  }
0x14: {  	s2 =	sld [smem:$0x3F96];
	s0 =	simm.s32 @p1 $0x1  }
0x15: {  	[smem:$0x3FB3] =	sst s0;
	s0 =	simm.s32 @!p2 $0x0  }
0x16: {  	s3 =	sld [smem:$0x3FDB];
	s0 =	simm.s32 @p2 $0x1  }
0x17: {  	s4 =	simm.s32 $0x1BF5;
	[smem:$0x3FB5] =	sst s0  }
0x18: {  	s0 =	sld [smem:$0x3F98];
	_ =	swait.ge [sflag:s4], $0x0  }
0x19: {  	s7 =	sld [smem:$0x3F99]  }
0x1a: {  	s8 =	sadd.s32 $0xFFFFE003, lr  }
0x1b: {  	s9 =	sadd.s32 $0xFFFFFEF7, lr;
	s5 =	simm.s32 $0xFFFFFFFF;
	p2 =	slt.u32 s8, $0xFFFFF086  }
0x1c: {  	p1 =	slt.u32 s9, $0xF7A;
	s5 =	simm.s32 @!p2 $0x0  }
0x1d: {  	s5 =	simm.s32 @p1 $0x1;
	p0 =	seq.s32 s7, s2  }
0x1e: {  	s7 =	smul.u32 @!p0 $0xF7A, s2;
	p2 =	seq.s32 @!p0 s5, $0x0  }
0x1f: {  	s9 =	smul.u32 $0xF7A, s1;
	s8 =	simm.s32 @!p0 $0x1BF5;
	p2 =	por !p2, p0  }
0x20: {  	[sflag:s8] =	ssyncset.s32 @!p0 $0xFFFFF086;
	s6 =	sadd.s32 @!p0 s3, s7;
	s7 =	simm.s32 @!p0 $0x108  }
0x21: {  	s3 =	sadd.s32 s3, s9;
	s6 =	sadd.s32 @!p0 $0x88, s6;
	s7 =	simm.s32 @p2 $0x1082  }
0x22: {  	[simem:s7], [sflag:s8] =	dma.local @!p0 [hbm:s6], $0xF7A  }
0x23: {  	s9 =	sor.u32 $0xD0000000, s2;
	s6 =	simm.s32 $0x108;
	_ =	swait.ge @!p0 [sflag:s8], $0x0  }
0x24: {  	s3 =	sadd.s32 $0x88, s3;
	s6 =	simm.s32 @!p1 $0x1082;
	[sflag:s4] =	ssyncset.s32 $0xFFFFF086  }
0x25: {  	[simem:s6], [sflag:s4] =	dma.local [hbm:s3], $0xF7A  }
0x26: {  	[smem:$0x3F99] =	sst s1;
	(tag) =	ssettag s2;
	_ =	strace s9  }
0x27: {  	s1 =	sld [smem:$0x3FA9]  }
0x28: {  	s2 =	sld [smem:$0x3FAA]  }
0x29: {  	s4 =	sld [smem:$0x3FAC]  }
0x2a: {  	p0 =	seq.s32 s5, $0x0;
	s5 =	sld [smem:$0x3FAD]  }
0x2b: {  	s6 =	sld [smem:$0x3FAE]  }
0x2c: {  	s7 =	sld [smem:$0x3FAF]  }
0x2d: {  	s3 =	simm.s32 $0x108;
	s8 =	sld [smem:$0x3FB0]  }
0x2e: {  	s3 =	simm.s32 @!p0 $0x1082;
	s9 =	sld [smem:$0x3FB1]  }
0x2f: {  	lr =	sadd.s32 s0, s3;
	s0 =	sld [smem:$0x3FA8]  }
0x30: {  	s3 =	sld [smem:$0x3FAB]  }
0x31: {  	[smem:$0x3FB4] =	sst s10  }
0x32: {  	s10 =	sld [smem:$0x3FB2];
	_ =	sdelay $0x3  }
0x33: {  	p0 =	seq.s32 s10, $0x1;
	s10 =	sld [smem:$0x3FB4];
	_ =	sdelay $0x3  }
0x34: {  	[smem:$0x3FB4] =	sst s10  }
0x35: {  	s10 =	sld [smem:$0x3FB3];
	_ =	sdelay $0x3  }
0x36: {  	p1 =	seq.s32 s10, $0x1;
	s10 =	sld [smem:$0x3FB4];
	_ =	sdelay $0x3  }
0x37: {  	[smem:$0x3FB4] =	sst s10  }
0x38: {  	s10 =	sld [smem:$0x3FB5]  }
0x39: {  	_ = 	snop;
	(pc) =	sbr.ind lr, $3  }
0x3a: {  	_ = 	snop  }
0x3b: {  	_ = 	snop  }
0x3c: {  	p2 =	seq.s32 s10, $0x1;
	s10 =	sld [smem:$0x3FB4]  }
0x3d: {  	_ =	shalt  }
0x3e: {  	_ =	shalt  }
0x3f: {  	_ =	shalt  }
0x40: {  	_ =	shalt  }
0x41: {  	_ =	shalt  }
0x42: {  	_ =	shalt  }
0x43: {  	_ =	shalt  }
0x44: {  	_ =	shalt  }
0x45: {  	_ =	shalt  }
0x46: {  	_ =	shalt  }
0x47: {  	_ =	shalt  }
0x48: {  	_ =	shalt  }
0x49: {  	_ =	shalt  }
0x4a: {  	_ =	shalt  }
0x4b: {  	_ =	shalt  }
0x4c: {  	_ =	shalt  }
0x4d: {  	_ =	shalt  }
0x4e: {  	_ =	shalt  }
0x4f: {  	_ =	shalt  }
0x50: {  	_ =	shalt  }
0x51: {  	_ =	shalt  }
0x52: {  	_ =	shalt  }
0x53: {  	_ =	shalt  }
0x54: {  	_ =	shalt  }
0x55: {  	_ =	shalt  }
0x56: {  	_ =	shalt  }
0x57: {  	_ =	shalt  }
0x58: {  	_ =	shalt  }
0x59: {  	_ =	shalt  }
0x5a: {  	_ =	shalt  }
0x5b: {  	_ =	shalt  }
0x5c: {  	_ =	shalt  }
0x5d: {  	_ =	shalt  }
0x5e: {  	_ =	shalt  }
0x5f: {  	_ =	shalt  }
0x60: {  	_ =	shalt  }
0x61: {  	_ =	shalt  }
0x62: {  	_ =	shalt  }
0x63: {  	_ =	shalt  }
0x64: {  	_ =	shalt  }
0x65: {  	_ =	shalt  }
0x66: {  	_ =	shalt  }
0x67: {  	_ =	shalt  }
0x68: {  	_ =	shalt  }
0x69: {  	_ =	shalt  }
0x6a: {  	_ =	shalt  }
0x6b: {  	_ =	shalt  }
0x6c: {  	_ =	shalt  }
0x6d: {  	_ =	shalt  }
0x6e: {  	_ =	shalt  }
0x6f: {  	_ =	shalt  }
0x70: {  	_ =	shalt  }
0x71: {  	_ =	shalt  }
0x72: {  	_ =	shalt  }
0x73: {  	_ =	shalt  }
0x74: {  	_ =	shalt  }
0x75: {  	_ =	shalt  }
0x76: {  	_ =	shalt  }
0x77: {  	_ =	shalt  }
0x78: {  	_ =	shalt  }
0x79: {  	_ =	shalt  }
0x7a: {  	_ =	shalt  }
0x7b: {  	_ =	shalt  }
0x7c: {  	_ =	shalt  }
0x7d: {  	_ =	shalt  }
0x7e: {  	_ =	shalt  }
0x7f: {  	_ =	shalt  }
0x80: {  	_ =	shalt  }
0x81: {  	_ =	shalt  }
0x82: {  	_ =	shalt  }
0x83: {  	_ =	shalt  }
0x84: {  	_ =	shalt  }
0x85: {  	_ =	shalt  }
0x86: {  	_ =	shalt  }
0x87: {  	_ =	shalt  }
.Lfunc_end0:
.L_simem_size_0:
called_computation.1_lowered:
.L_overlay_start_0:
0x88: {  	s2 =	sld [smem:$0x3FD9]  }
0x89: {  	s3 =	sld [smem:$0x3FFE];
	_ =	sdelay $0x1  }
0x8a: {  	s1 =	srdreg.scid  }
0x8b: {  	s0 =	sand.u32 $0x1, s1  }
0x8c: {  	s16 =	sshll.u32 s0, $0xA;
	s2 =	sadd.s32 s3, s2  }
0x8d: {  	s2 =	sadd.s32 s2, s16  }
0x8e: {  	[smem:$0x3FC0] =	sst s2  }
0x8f: {  	_ = 	snop  }
0x90: {  	(tm) =	ssettm $0x1  }
0x91: {  	s17 =	sld [smem:$0x3FFB];
	_ =	sdelay $0x3  }
0x92: {  	_ =	strace s17  }
0x93: {  	s2 =	sld [smem:$0x3FFC];
	_ =	sdelay $0x3  }
0x94: {  	_ =	strace s2  }
0x95: {  	s2 =	sld [smem:$0x3FFD];
	_ =	sdelay $0x3  }
0x96: {  	_ =	strace s2  }
0x97: {  	_ =	strace $0x8FFFFFFF  }
0x98: {  	s18 =	sld [smem:$0x3FDB];
	_ =	sdelay $0x1  }
0x99: {  	s19 =	simm.s32 $_scs_section_size  }
0x9a: {  	s4 =	simm.s32 $_size__tile_overlayer_lowered;
	s5 =	simm.s32 $_tile_overlayer_lowered  }
0x9b: {  	s22 =	simm.s32 $0x1BFF;
	s21 =	sshll.u32 s5, $0x1;
	s2 =	sadd.s32 s19, s18  }
0x9c: {  	s6 =	simm.s32 $0x0;
	s20 =	sshll.u32 s4, $0x1;
	s4 =	sadd.s32 s21, s2  }
0x9d: {  	[timem:s6], [sflag:s22] =	dma.local [hbm:s4], s20  }
0x9e: {  	_ =	swait.ge [sflag:s22], s20  }
0x9f: {  	s3 =	ssub.s32 $0x0, s20;
	[sflag:s22] =	ssyncset.done $0x0  }
0xa0: {  	[sflag:s22] =	ssyncadd.s32 s3;
	_ =	sdelay $0x1  }
0xa1: {  	s23 =	simm.s32 $0x1B8B  }
0xa2: {  	_ =	swait.ge [sflag:s23], $0x1  }
0xa3: {  	[sflag:s23] =	ssyncset.done $0x0  }
0xa4: {  	s25 =	simm.s32 $0x1B8E;
	s24 =	sld [smem:$0x3FFE];
	[sflag:s23] =	ssyncadd.s32 $0xFFFFFFFF  }
0xa5: {  	s26 =	simm.s32 $execute0_lowered;
	[smem:$0x3FD2] =	sst s25  }
0xa6: {  	s4 =	sshll.u32 s26, $0x1;
	_ =	strace $0x80000049;
	[dreg:$0x1] =	wrdreg $0xFFFFFFFF  }
0xa7: {  	s28 =	simm.s32 $_size_execute0_lowered;
	s2 =	sadd.s32 s2, s4;
	[dreg:$0x0] =	wrdreg $0x0  }
0xa8: {  	s4 =	sshll.u32 s28, $0x1;
	[dreg:$0x2] =	wrdreg s2  }
0xa9: {  	[dreg:$0x3] =	wrdreg s4  }
0xaa: {  	[dreg:$0x4] =	wrdreg $0xC0  }
0xab: {  	_ =	task [dreg:s6], $0x5FFFF  }
0xac: {  	[dreg:$0x1] =	wrdreg $0xFFFFFFFF  }
0xad: {  	[dreg:$0x0] =	wrdreg $0x60  }
0xae: {  	[dreg:$0x2] =	wrdreg s24  }
0xaf: {  	[dreg:$0x3] =	wrdreg $0xFF500  }
0xb0: {  	[dreg:$0x4] =	wrdreg $0x9  }
0xb1: {  	_ =	task.clear_ibuf [dreg:s6], $0x5FFFF;
	_ =	strace $0x90000049  }
0xb2: {  	s29 =	simm.s32 $0x9;
	_ =	strace $0x8000004B  }
0xb3: {  	_ =	swait.ge [sflag:s29], $0x1  }
0xb4: {  	[sflag:s29] =	ssyncadd.s32 $0xFFFFFFFF  }
0xb5: {  	_ =	strace $0x9000004B  }
0xb6: {  	_ =	sfence  }
0xb7: {  	s30 =	sld [smem:$0x0];
	_ =	sdelay $0x2  }
0xb8: {  	s31 =	sshll.u32 s1, $0xD;
	s1 =	sshrl.u32 s1, $0x2  }
0xb9: {  	s3 =	sand.u32 $0x4000, s31;
	s1 =	sadd.s32 s1, s30  }
0xba: {  	s0 =	sor.u32 s3, s0;
	s1 =	sshll.u32 s1, $0x11  }
0xbb: {  	s0 =	sor.u32 s1, s0  }
0xbc: {  	s0 =	sadd.s32 $0x8F2B, s0  }
0xbd: {  	[sflag:s0] =	ssyncadd.remote.s32 $0x1  }
0xbe: {  	_ =	sfence.sel $0xFFFF  }
0xbf: {  	[dreg:$0x0] =	wrdreg $0xFFFFFFFF;
	(pc) =	sbr.abs _section_cstart, $3  }
0xc0: {  	[dreg:$0x1] =	wrdreg $0xFFFFFFFF  }
0xc1: {  	_ =	task.clear_ibuf [dreg:s6], $0x2FFFF;
	_ =	strace $0x9FFFFFFF  }
0xc2: {  	(tm) =	ssettm $0x7FFFFFFF  }
0xc3: {  	_ =	shalt  }
tec
execute0_lowered:
.L_overlay_start_1:
0x0: {  	(tag) =	ssettag $0x1  }
0x1: {  	s0 =	rddreg [dreg:$0x0];
	s11 =	stileid.u32  }
0x2: {  	s2 =	rddreg [dreg:$0x1];
	s1 =	smul.u32 $0xEA6, s11  }
0x3: {  	s3 =	simm.s32 $0x0;
	s5 =	srdreg.scid;
	s4 =	smul.u32 $0x2710, s11  }
0x4: {  	[smem:$0x7FF] =	sst s3;
	s10 =	smul.u32 $0x30D40, s11  }
0x5: {  	s6 =	sand.u32 $0x1, s5;
	s5 =	sadd.s32 $0x1000, s0;
	s24 =	smul.u32 $0x271, s11  }
0x6: {  	s31 =	smul.u32 $0x27100, s11;
	s7 =	ssub.s32 $0x2, s6;
	s6 =	sshll.u32 s6, $0x2  }
0x7: {  	_ =	strace $0x8000004A;
	s1 =	sadd.s32 s1, s0;
	[dreg:$0x6] =	wrdreg s6  }
0x8: {  	s8 =	sshrl.u32 s4, $0x3;
	s9 =	sshrl.u32 s7, $0x1;
	[dreg:$0x7] =	wrdreg s24  }
0x9: {  	[dreg:$0xd] =	wrdreg s31;
	s8 =	sadd.s32 s8, s0;
	s0 =	sadd.s32 $0x15FF000, s0  }
0xa: {  	s23 =	sshrl.u32 s10, $0x2;
	s1 =	sadd.s32 $0x186B000, s1;
	[dreg:$0x3] =	wrdreg s0  }
0xb: {  	s21 =	ssub.s32 s7, s9;
	s7 =	sadd.s32 s23, s2;
	[dreg:$0x5] =	wrdreg s1  }
0xc: {  	s20 =	simm.s32 $0x2710;
	s22 =	sadd.s32 $0x15FA000, s8;
	[dreg:$0x8] =	wrdreg s7  }
0xd: {  	s28 =	simm.s32 $0x2;
	s1 =	sadd.s32 $0x2710, s7;
	[dreg:$0x4] =	wrdreg s22  }
0xe: {  	s29 =	simm.s32 $0xBF40;
	s25 =	sadd.s32 $0x4E20, s7;
	[dreg:$0x9] =	wrdreg s1  }
0xf: {  	s17 =	sadd.s32 $0xA0, s4;
	s26 =	sadd.s32 $0x7530, s7;
	[dreg:$0xa] =	wrdreg s25  }
0x10: {  	s24 =	simm.s32 $0x1;
	s30 =	sadd.s32 $0x9C40, s7;
	[dreg:$0xb] =	wrdreg s26  }
0x11: {  	s23 =	simm.s32 $0xA140;
	s0 =	smax.u32 s21, $0x1;
	[dreg:$0xc] =	wrdreg s30  }
0x12: {  	v1 =	vimm.f32 $0.0e+00;
	vm0 =	vcmask $0x300;
	s8 =	simm.s32 $0x5;
	[dreg:$0xe] =	wrdreg s0;
	s22 =	simm.s32 $0x9C40  }
0x13: {  	v0 =	vimm.bf16 $0.0e+00;
	v1 =	vsel vm0, $0x3F800000, v1;
	s25 =	simm.s32 $0x50;
	s26 =	simm.s32 $0xA640;
	s1 =	simm.s32 $0x0  }
.LBB2_1:
0x14: {  	[dreg:$0xf] =	wrdreg s1  }
0x15: {  	s0 =	rddreg [dreg:$0x4]  }
0x16: {  	[tilespmem:s3], [sflag:$0x5] =	stream.linear.gather [hbm4b:s0+s3], $0x2710, $0x38;
	[tilespmem:$0x1C2A0] =	vst v63  }
0x17: {  	_ =	swait.ge [sflag:s8], $0x2710  }
0x18: {  	[sflag:s8] =	ssyncset.done $0x0  }
0x19: {  	s31 =	rddreg [dreg:$0x5];
	[sflag:s8] =	ssyncadd.s32 $0xFFFFD8F0  }
0x1a: {  	[tilespmem:s20], [sflag:$0x5] =	stream.linear.gather [hbm4b:s31+s3], $0x7530, $0x38;
	[tilespmem:$0x1C2A0] =	vst v63  }
0x1b: {  	_ =	swait.ge [sflag:s8], $0x7530  }
0x1c: {  	[sflag:s8] =	ssyncset.done $0x0  }
0x1d: {  	s1 =	simm.s32 $0x140;
	s0 =	simm.s32 $0x0;
	[sflag:s8] =	ssyncadd.s32 $0xFFFF8AD0  }
.LBB2_2:
0x1e: {  	p0 =	sne.s32 s1, $0x9B00;
	[tilespmem:s0+$0xD880] =	vst v0;
	s6 =	smov.u32 s1;
	s1 =	sadd.s32 $0x140, s1  }
.Ltmp0:
0x1f: {  	[tilespmem:s0+$0xD870] =	vst v0;
	(pc) =	sbr.rel @p0 .LBB2_2-.Ltmp0, $4  }
0x20: {  	[tilespmem:s0+$0xD860] =	vst v0  }
0x21: {  	[tilespmem:s0+$0xD840] =	vst v0  }
0x22: {  	[tilespmem:s0+$0xD850] =	vst v0  }
0x23: {  	s0 =	sshra.s32 s6, $0x2  }
0x24: {  	[tilespmem:s0+$0xD880] =	vst v0  }
0x25: {  	[tilespmem:s0+$0xD870] =	vst v0  }
0x26: {  	[tilespmem:s0+$0xD860] =	vst v0  }
0x27: {  	[tilespmem:s0+$0xD840] =	vst v0  }
0x28: {  	[tilespmem:s0+$0xD850] =	vst v0;
	s18 =	simm.s32 $0x0  }
.LBB2_4:
0x29: {  	s1 =	simm.s32 $0xD840  }
0x2a: {  	[spmem:s7] =	stream.linear.scatter [tilespmem:s1], [sflag:$0x5], $0x2710, $0x38;
	[tilespmem:$0x1C2A0] =	vst v63  }
0x2b: {  	_ =	swait.ge [sflag:s8], $0x2710  }
0x2c: {  	[sflag:s8] =	ssyncset.done $0x0  }
0x2d: {  	s0 =	rddreg [dreg:$0x9];
	[sflag:s8] =	ssyncadd.s32 $0xFFFFD8F0  }
0x2e: {  	[spmem:s0] =	stream.linear.scatter [tilespmem:s1], [sflag:$0x5], $0x2710, $0x38;
	[tilespmem:$0x1C2A0] =	vst v63  }
0x2f: {  	_ =	swait.ge [sflag:s8], $0x2710  }
0x30: {  	[sflag:s8] =	ssyncset.done $0x0  }
0x31: {  	s14 =	rddreg [dreg:$0xa];
	[sflag:s8] =	ssyncadd.s32 $0xFFFFD8F0  }
0x32: {  	[spmem:s14] =	stream.linear.scatter [tilespmem:s1], [sflag:$0x5], $0x2710, $0x38;
	[tilespmem:$0x1C2A0] =	vst v63  }
0x33: {  	_ =	swait.ge [sflag:s8], $0x2710  }
0x34: {  	[sflag:s8] =	ssyncset.done $0x0  }
0x35: {  	s15 =	rddreg [dreg:$0xb];
	[sflag:s8] =	ssyncadd.s32 $0xFFFFD8F0  }
0x36: {  	[spmem:s15] =	stream.linear.scatter [tilespmem:s1], [sflag:$0x5], $0x2710, $0x38;
	[tilespmem:$0x1C2A0] =	vst v63  }
0x37: {  	_ =	swait.ge [sflag:s8], $0x2710  }
0x38: {  	[sflag:s8] =	ssyncset.done $0x0;
	s16 =	rddreg [dreg:$0x6]  }
0x39: {  	s19 =	rddreg [dreg:$0xc];
	s6 =	sadd.s32 s16, s18;
	[sflag:s8] =	ssyncadd.s32 $0xFFFFD8F0  }
0x3a: {  	[spmem:s19] =	stream.linear.scatter [tilespmem:s1], [sflag:$0x5], $0x2710, $0x38;
	[tilespmem:$0x1C2A0] =	vst v63  }
0x3b: {  	p0 =	seq.s32 s18, $0x0;
	[dreg:$0x10] =	wrdreg s6  }
0x3c: {  	s30 =	simm.s32 $0x0;
	s1 =	smul.u32 $0x271000, s6;
	_ =	swait.ge [sflag:s8], $0x2710  }
0x3d: {  	s31 =	simm.s32 $0xF0;
	s6 =	simm.f32 $1.000000000e+00;
	s21 =	rddreg [dreg:$0xd]  }
0x3e: {  	s6 =	simm.s32 @!p0 $0x0;
	[sflag:s8] =	ssyncset.done $0x0;
	s0 =	sadd.s32 s21, s1  }
0x3f: {  	v2 =	vmul.f32 s6, v1;
	s6 =	simm.s32 $0x0;
	[sflag:s8] =	ssyncadd.s32 $0xFFFFD8F0;
	s0 =	sshrl.u32 s0, $0x3  }
0x40: {  	s8 =	simm.s32 $0x0;
	[bflag:$0x0] =	sbarrier.arrive $0xFFFF;
	s0 =	sadd.s32 s5, s0  }
0x41: {  	[tilespmem:s22], [sflag:$0x1] =	stream.linear.gather [hbm4b:s0+s30], $0x500, $0x38;
	[tilespmem:$0x1C2A0] =	vst v63  }
.LBB2_5:
0x42: {  	s10 =	smul.u32 $0xA0, s6;
	_ =	sdelay $0x1  }
0x43: {  	s9 =	sadd.s32 $0x50, s10  }
0x44: {  	s0 =	sadd.s32 s4, s9  }
0x45: {  	s0 =	sshll.u32 s0, $0x4  }
0x46: {  	s0 =	sadd.s32 s1, s0  }
0x47: {  	s0 =	sshrl.u32 s0, $0x3  }
0x48: {  	s0 =	sadd.s32 s5, s0  }
0x49: {  	[tilespmem:s23], [sflag:$0x2] =	stream.linear.gather [hbm4b:s0+s3], $0x500, $0x38;
	[tilespmem:$0x1C2A0] =	vst v63  }
0x4a: {  	_ =	swait.ge [sflag:s24], $0x500  }
0x4b: {  	p0 =	seq.s32 s6, $0x0;
	v3 =	vmov s8;
	[sflag:s24] =	ssyncset.done $0x0  }
0x4c: {  	v4 =	vadd.s32 $0x2, v3;
	s0 =	simm.s32 @!p0 $0x3;
	[sflag:s24] =	ssyncadd.s32 $0xFFFFFB00  }
0x4d: {  	v5 =	vadd.s32 $0x1, v3;
	_ =	swait.ge @!p0 [sflag:s0], $0x1900  }
0x4e: {  	[sflag:s0] =	ssyncset.done @!p0 $0x0  }
0x4f: {  	[sflag:s0] =	ssyncadd.s32 @!p0 $0xFFFFE700  }
0x50: {  	v10 =	vld.idx.msk [tilespmem:v3+s20+$0x0], $0xffff  }
0x51: {  	v11 =	vld.idx.msk [tilespmem:v4+s20+$0x0], $0xffff  }
0x52: {  	s21 =	simm.s32 $0x0;
	v5 =	vld.idx.msk [tilespmem:v5+s20+$0x0], $0xffff  }
0x53: {  	s11 =	sadd.s32 $0x3, s8;
	v9 =	vld [tilespmem:s21+$0x9C40]  }
0x54: {  	v7 =	vmov s11  }
0x55: {  	v6 =	vadd.s32 $0x1, v7;
	v12 =	vmul.f32 v10, v10  }
0x56: {  	s14 =	sadd.s32 $0x3, s11;
	v8 =	vadd.s32 $0x2, v7;
	v13 =	vmul.f32 v11, v10;
	v14 =	vmul.f32 v11, v11  }
0x57: {  	v3 =	vmov s14;
	v15 =	vmul.f32 v5, v10;
	v10 =	vmul.f32 v5, v5  }
0x58: {  	s16 =	simm.s32 $0x80;
	s13 =	simm.s32 $0xC0;
	s30 =	simm.s32 $0x100;
	v4 =	vadd.s32 $0x1, v3;
	v16 =	vmul.f32 v11, v5;
	v17 =	vmul.f32 v14, v9  }
0x59: {  	s12 =	simm.s32 $0xA700;
	s11 =	simm.s32 $0x40;
	s15 =	sadd.s32 $0x3, s14;
	v5 =	vadd.s32 $0x2, v3;
	v14 =	vmul.f32 v12, v9;
	v11 =	vmul.f32 v15, v9  }
0x5a: {  	s0 =	simm.s32 $0xA6B0;
	s21 =	simm.s32 $0xA660;
	s14 =	simm.s32 $0xA700;
	v13 =	vmul.f32 v13, v9;
	v12 =	vmul.f32 v16, v9;
	v15 =	vpack.i.f32.bf16 v2, v17  }
.LBB2_6:
0x5b: {  	p1 =	sne.s32 s30, $0x13C0  }
0x5c: {  	v16 =	vmov s15;
	s12 =	sadd.s32 $0x50, s12;
	v14 =	vpack.i.f32.bf16 v11, v14;
	v9 =	vmul.f32 v10, v9;
	[tilespmem:s21+$0x20] =	vst v15;
	s7 =	smov.u32 s30;
	s30 =	sadd.s32 $0x40, s30  }
0x5d: {  	v10 =	vadd.s32 $0x1, v16;
	v15 =	vadd.s32 $0x2, v16;
	[tilespmem:s21+$0xFFFFFFE0] =	vst v14;
	v14 =	vpack.i.f32.bf16 v12, v13  }
0x5e: {  	v11 =	vpack.i.f32.bf16 v11, v13;
	[tilespmem:s21+$0x10] =	vst v14  }
0x5f: {  	v9 =	vpack.i.f32.bf16 v12, v9;
	[tilespmem:s21+$0xFFFFFFF0] =	vst v11  }
0x60: {  	[tilespmem:s21+$0x0] =	vst v9;
	s21 =	smov.u32 s0;
	s0 =	smov.u32 s14;
	s14 =	smov.u32 s12  }
0x61: {  	v11 =	vld.idx.msk [tilespmem:v7+s20+$0x0], $0xffff;
	v7 =	vmov v3;
	v3 =	vmov v16  }
0x62: {  	v12 =	vld.idx.msk [tilespmem:v8+s20+$0x0], $0xffff;
	v8 =	vmov v5;
	v5 =	vmov v15  }
0x63: {  	v13 =	vld.idx.msk [tilespmem:v6+s20+$0x0], $0xffff;
	v6 =	vmov v4;
	v4 =	vmov v10  }
0x64: {  	s19 =	sshra.s32 s11, $0x2;
	s11 =	smov.u32 s16;
	s16 =	smov.u32 s13  }
0x65: {  	s13 =	smov.u32 s7;
	v9 =	vld [tilespmem:s19+$0x9C40];
	_ =	sdelay $0x1  }
0x66: {  	v14 =	vmul.f32 v11, v11  }
.Ltmp1:
0x67: {  	v15 =	vmul.f32 v12, v11;
	v16 =	vmul.f32 v12, v12;
	(pc) =	sbr.rel @p1 .LBB2_6-.Ltmp1, $4  }
0x68: {  	v11 =	vmul.f32 v13, v11;
	v10 =	vmul.f32 v13, v13  }
0x69: {  	v12 =	vmul.f32 v12, v13;
	v16 =	vmul.f32 v16, v9  }
0x6a: {  	v14 =	vmul.f32 v14, v9;
	v11 =	vmul.f32 v11, v9  }
0x6b: {  	s15 =	sadd.s32 $0x3, s15;
	v13 =	vmul.f32 v15, v9;
	v12 =	vmul.f32 v12, v9;
	v15 =	vpack.i.f32.bf16 v2, v16  }
0x6c: {  	v14 =	vpack.i.f32.bf16 v11, v14;
	[tilespmem:s21+$0x20] =	vst v15  }
0x6d: {  	v9 =	vmul.f32 v10, v9;
	[tilespmem:s21+$0xFFFFFFE0] =	vst v14;
	v10 =	vpack.i.f32.bf16 v12, v13  }
0x6e: {  	v11 =	vpack.i.f32.bf16 v11, v13;
	[tilespmem:s21+$0x10] =	vst v10  }
0x6f: {  	[tilespmem:s21+$0xFFFFFFF0] =	vst v11;
	v9 =	vpack.i.f32.bf16 v12, v9  }
0x70: {  	[tilespmem:s21+$0x0] =	vst v9  }
0x71: {  	v7 =	vld.idx.msk [tilespmem:v7+s20+$0x0], $0xffff  }
0x72: {  	v8 =	vld.idx.msk [tilespmem:v8+s20+$0x0], $0xffff  }
0x73: {  	s7 =	sshra.s32 s11, $0x2;
	v6 =	vld.idx.msk [tilespmem:v6+s20+$0x0], $0xffff  }
0x74: {  	v9 =	vld [tilespmem:s7+$0x9C40];
	_ =	sdelay $0x1  }
0x75: {  	v10 =	vmul.f32 v7, v7  }
0x76: {  	v11 =	vmul.f32 v8, v7;
	v12 =	vmul.f32 v8, v8  }
0x77: {  	v7 =	vmul.f32 v6, v7;
	v13 =	vmul.f32 v6, v6  }
0x78: {  	v6 =	vmul.f32 v8, v6;
	v8 =	vmul.f32 v12, v9  }
0x79: {  	v10 =	vmul.f32 v10, v9;
	v7 =	vmul.f32 v7, v9  }
0x7a: {  	v11 =	vmul.f32 v11, v9;
	v8 =	vpack.i.f32.bf16 v2, v8  }
0x7b: {  	v6 =	vmul.f32 v6, v9;
	v10 =	vpack.i.f32.bf16 v7, v10;
	[tilespmem:s0+$0x20] =	vst v8  }
0x7c: {  	v7 =	vpack.i.f32.bf16 v7, v11;
	v8 =	vmul.f32 v13, v9;
	[tilespmem:s0+$0xFFFFFFE0] =	vst v10  }
0x7d: {  	v9 =	vpack.i.f32.bf16 v6, v11;
	[tilespmem:s0+$0xFFFFFFF0] =	vst v7  }
0x7e: {  	[tilespmem:s0+$0x10] =	vst v9;
	v6 =	vpack.i.f32.bf16 v6, v8  }
0x7f: {  	[tilespmem:s0+$0x0] =	vst v6  }
0x80: {  	v3 =	vld.idx.msk [tilespmem:v3+s20+$0x0], $0xffff  }
0x81: {  	v5 =	vld.idx.msk [tilespmem:v5+s20+$0x0], $0xffff  }
0x82: {  	s11 =	sshra.s32 s16, $0x2;
	v4 =	vld.idx.msk [tilespmem:v4+s20+$0x0], $0xffff  }
0x83: {  	v6 =	vld [tilespmem:s11+$0x9C40];
	_ =	sdelay $0x1  }
0x84: {  	v7 =	vmul.f32 v3, v3  }
0x85: {  	v8 =	vmul.f32 v5, v3;
	v9 =	vmul.f32 v5, v5  }
0x86: {  	v3 =	vmul.f32 v4, v3;
	v10 =	vmul.f32 v4, v4  }
0x87: {  	v4 =	vmul.f32 v5, v4;
	v5 =	vmul.f32 v9, v6  }
0x88: {  	v7 =	vmul.f32 v7, v6;
	v3 =	vmul.f32 v3, v6  }
0x89: {  	v8 =	vmul.f32 v8, v6;
	v5 =	vpack.i.f32.bf16 v2, v5  }
0x8a: {  	v4 =	vmul.f32 v4, v6;
	v9 =	vmov s15;
	v7 =	vpack.i.f32.bf16 v3, v7;
	[tilespmem:s14+$0x20] =	vst v5  }
0x8b: {  	v6 =	vmul.f32 v10, v6;
	v3 =	vpack.i.f32.bf16 v3, v8;
	v5 =	vadd.s32 $0x2, v9;
	[tilespmem:s14+$0xFFFFFFE0] =	vst v7  }
0x8c: {  	v10 =	vadd.s32 $0x1, v9;
	v7 =	vpack.i.f32.bf16 v4, v8;
	[tilespmem:s14+$0xFFFFFFF0] =	vst v3  }
0x8d: {  	v3 =	vpack.i.f32.bf16 v4, v6;
	[tilespmem:s14+$0x10] =	vst v7  }
0x8e: {  	[tilespmem:s14+$0x0] =	vst v3  }
0x8f: {  	v3 =	vld.idx.msk [tilespmem:v9+s20+$0x0], $0xffff  }
0x90: {  	v4 =	vld.idx.msk [tilespmem:v5+s20+$0x0], $0xffff  }
0x91: {  	s13 =	sshra.s32 s13, $0x2;
	v5 =	vld.idx.msk [tilespmem:v10+s20+$0x0], $0xffff  }
0x92: {  	v6 =	vld [tilespmem:s13+$0x9C40];
	_ =	sdelay $0x1  }
0x93: {  	v7 =	vmul.f32 v3, v3  }
0x94: {  	v8 =	vmul.f32 v4, v3;
	v9 =	vmul.f32 v4, v4  }
0x95: {  	v3 =	vmul.f32 v5, v3;
	v10 =	vmul.f32 v5, v5  }
0x96: {  	v4 =	vmul.f32 v4, v5;
	v5 =	vmul.f32 v9, v6  }
0x97: {  	v7 =	vmul.f32 v7, v6;
	v3 =	vmul.f32 v3, v6  }
0x98: {  	s14 =	sadd.s32 $0x50, s12;
	v8 =	vmul.f32 v8, v6;
	v5 =	vpack.i.f32.bf16 v2, v5  }
0x99: {  	v4 =	vmul.f32 v4, v6;
	v7 =	vpack.i.f32.bf16 v3, v7;
	[tilespmem:s14+$0x20] =	vst v5  }
0x9a: {  	s19 =	sadd.s32 s10, s17;
	v3 =	vpack.i.f32.bf16 v3, v8;
	v5 =	vmul.f32 v10, v6;
	[tilespmem:s14+$0xFFFFFFE0] =	vst v7  }
0x9b: {  	s0 =	sshll.u32 s19, $0x4;
	s15 =	smul.u32 $0x280, s6;
	v6 =	vpack.i.f32.bf16 v4, v8;
	[tilespmem:s14+$0xFFFFFFF0] =	vst v3  }
0x9c: {  	s0 =	sadd.s32 s1, s0;
	[tilespmem:s14+$0x10] =	vst v6;
	v3 =	vpack.i.f32.bf16 v4, v5  }
0x9d: {  	s0 =	sshrl.u32 s0, $0x3;
	s16 =	sshra.s32 s15, $0x2;
	[tilespmem:s14+$0x0] =	vst v3  }
0x9e: {  	[spmem:s2] =	stream.indirect.scatter.add.bf16 [tilespmem:s26], [sflag:$0x3], $0x50, s16, s25, $0xb8;
	[tilespmem:$0x1C2A0] =	vst v63  }
0x9f: {  	s0 =	sadd.s32 s5, s0  }
0xa0: {  	[tilespmem:s22], [sflag:$0x1] =	stream.linear.gather [hbm4b:s0+s3], $0x500, $0x38;
	[tilespmem:$0x1C2A0] =	vst v63  }
0xa1: {  	_ =	swait.ge [sflag:s28], $0x500  }
0xa2: {  	v3 =	vmov s31;
	[sflag:s28] =	ssyncset.done $0x0  }
0xa3: {  	v4 =	vadd.s32 $0x2, v3;
	s0 =	simm.s32 @!p0 $0x4;
	[sflag:s28] =	ssyncadd.s32 $0xFFFFFB00  }
0xa4: {  	v5 =	vadd.s32 $0x1, v3;
	_ =	swait.ge @!p0 [sflag:s0], $0x1900  }
0xa5: {  	[sflag:s0] =	ssyncset.done @!p0 $0x0  }
0xa6: {  	[sflag:s0] =	ssyncadd.s32 @!p0 $0xFFFFE700  }
0xa7: {  	v10 =	vld.idx.msk [tilespmem:v3+s20+$0x0], $0xffff  }
0xa8: {  	v11 =	vld.idx.msk [tilespmem:v4+s20+$0x0], $0xffff  }
0xa9: {  	s21 =	simm.s32 $0x0;
	v5 =	vld.idx.msk [tilespmem:v5+s20+$0x0], $0xffff  }
0xaa: {  	s30 =	sadd.s32 $0x3, s31;
	v9 =	vld [tilespmem:s21+$0xA140]  }
0xab: {  	v7 =	vmov s30  }
0xac: {  	v6 =	vadd.s32 $0x1, v7;
	v12 =	vmul.f32 v10, v10  }
0xad: {  	s7 =	sadd.s32 $0x3, s30;
	v8 =	vadd.s32 $0x2, v7;
	v13 =	vmul.f32 v11, v10;
	v14 =	vmul.f32 v11, v11  }
0xae: {  	v3 =	vmov s7;
	v15 =	vmul.f32 v5, v10;
	v10 =	vmul.f32 v5, v5  }
0xaf: {  	s10 =	simm.s32 $0xC020;
	s11 =	simm.s32 $0x40;
	s15 =	simm.s32 $0x80;
	v4 =	vadd.s32 $0x1, v3;
	v16 =	vmul.f32 v11, v5;
	v17 =	vmul.f32 v14, v9  }
0xb0: {  	s12 =	simm.s32 $0xC0;
	s13 =	simm.s32 $0xC020;
	s14 =	sadd.s32 $0x3, s7;
	v5 =	vadd.s32 $0x2, v3;
	v14 =	vmul.f32 v12, v9;
	v11 =	vmul.f32 v15, v9  }
0xb1: {  	s16 =	simm.s32 $0xBF80;
	s0 =	simm.s32 $0xBFD0;
	s21 =	simm.s32 $0x100;
	v13 =	vmul.f32 v13, v9;
	v12 =	vmul.f32 v16, v9;
	v15 =	vpack.i.f32.bf16 v2, v17  }
.LBB2_8:
0xb2: {  	p0 =	sne.s32 s21, $0x13C0  }
0xb3: {  	v16 =	vmov s14;
	s10 =	sadd.s32 $0x50, s10;
	v14 =	vpack.i.f32.bf16 v11, v14;
	v9 =	vmul.f32 v10, v9;
	[tilespmem:s16+$0x0] =	vst v15;
	s7 =	smov.u32 s21;
	s21 =	sadd.s32 $0x40, s21  }
0xb4: {  	v10 =	vadd.s32 $0x1, v16;
	v15 =	vadd.s32 $0x2, v16;
	[tilespmem:s16+$0xFFFFFFC0] =	vst v14;
	v14 =	vpack.i.f32.bf16 v12, v13  }
0xb5: {  	v11 =	vpack.i.f32.bf16 v11, v13;
	[tilespmem:s16+$0xFFFFFFF0] =	vst v14  }
0xb6: {  	v9 =	vpack.i.f32.bf16 v12, v9;
	[tilespmem:s16+$0xFFFFFFD0] =	vst v11  }
0xb7: {  	[tilespmem:s16+$0xFFFFFFE0] =	vst v9;
	s16 =	smov.u32 s0;
	s0 =	smov.u32 s13;
	s13 =	smov.u32 s10  }
0xb8: {  	v11 =	vld.idx.msk [tilespmem:v7+s20+$0x0], $0xffff;
	v7 =	vmov v3;
	v3 =	vmov v16  }
0xb9: {  	v12 =	vld.idx.msk [tilespmem:v8+s20+$0x0], $0xffff;
	v8 =	vmov v5;
	v5 =	vmov v15  }
0xba: {  	v13 =	vld.idx.msk [tilespmem:v6+s20+$0x0], $0xffff;
	v6 =	vmov v4;
	v4 =	vmov v10  }
0xbb: {  	s19 =	sshra.s32 s11, $0x2;
	s11 =	smov.u32 s15;
	s15 =	smov.u32 s12  }
0xbc: {  	s12 =	smov.u32 s7;
	v9 =	vld [tilespmem:s19+$0xA140];
	_ =	sdelay $0x1  }
0xbd: {  	v14 =	vmul.f32 v11, v11  }
.Ltmp2:
0xbe: {  	v15 =	vmul.f32 v12, v11;
	v16 =	vmul.f32 v12, v12;
	(pc) =	sbr.rel @p0 .LBB2_8-.Ltmp2, $4  }
0xbf: {  	v11 =	vmul.f32 v13, v11;
	v10 =	vmul.f32 v13, v13  }
0xc0: {  	v12 =	vmul.f32 v12, v13;
	v16 =	vmul.f32 v16, v9  }
0xc1: {  	v14 =	vmul.f32 v14, v9;
	v11 =	vmul.f32 v11, v9  }
0xc2: {  	s14 =	sadd.s32 $0x3, s14;
	v13 =	vmul.f32 v15, v9;
	v12 =	vmul.f32 v12, v9;
	v15 =	vpack.i.f32.bf16 v2, v16  }
0xc3: {  	v14 =	vpack.i.f32.bf16 v11, v14;
	[tilespmem:s16+$0x0] =	vst v15  }
0xc4: {  	v9 =	vmul.f32 v10, v9;
	[tilespmem:s16+$0xFFFFFFC0] =	vst v14;
	v37 =	vpack.i.f32.bf16 v12, v13  }
0xc5: {  	v38 =	vpack.i.f32.bf16 v11, v13;
	[tilespmem:s16+$0xFFFFFFF0] =	vst v37  }
0xc6: {  	[tilespmem:s16+$0xFFFFFFD0] =	vst v38;
	v9 =	vpack.i.f32.bf16 v12, v9  }
0xc7: {  	[tilespmem:s16+$0xFFFFFFE0] =	vst v9  }
0xc8: {  	v7 =	vld.idx.msk [tilespmem:v7+s20+$0x0], $0xffff  }
0xc9: {  	v8 =	vld.idx.msk [tilespmem:v8+s20+$0x0], $0xffff  }
0xca: {  	s7 =	sshra.s32 s11, $0x2;
	v6 =	vld.idx.msk [tilespmem:v6+s20+$0x0], $0xffff  }
0xcb: {  	v9 =	vld [tilespmem:s7+$0xA140];
	_ =	sdelay $0x1  }
0xcc: {  	v39 =	vmul.f32 v7, v7  }
0xcd: {  	v40 =	vmul.f32 v8, v7;
	v41 =	vmul.f32 v8, v8  }
0xce: {  	v7 =	vmul.f32 v6, v7;
	v42 =	vmul.f32 v6, v6  }
0xcf: {  	v6 =	vmul.f32 v8, v6;
	v43 =	vmul.f32 v41, v9  }
0xd0: {  	v10 =	vmul.f32 v39, v9;
	v7 =	vmul.f32 v7, v9  }
0xd1: {  	v11 =	vmul.f32 v40, v9;
	v6 =	vmul.f32 v6, v9;
	v8 =	vpack.i.f32.bf16 v2, v43  }
0xd2: {  	v10 =	vpack.i.f32.bf16 v7, v10;
	[tilespmem:s0+$0x0] =	vst v8  }
0xd3: {  	v44 =	vmul.f32 v42, v9;
	v45 =	vpack.i.f32.bf16 v6, v11;
	[tilespmem:s0+$0xFFFFFFC0] =	vst v10  }
0xd4: {  	v7 =	vpack.i.f32.bf16 v7, v11;
	[tilespmem:s0+$0xFFFFFFF0] =	vst v45  }
0xd5: {  	v6 =	vpack.i.f32.bf16 v6, v44;
	[tilespmem:s0+$0xFFFFFFD0] =	vst v7  }
0xd6: {  	[tilespmem:s0+$0xFFFFFFE0] =	vst v6  }
0xd7: {  	v3 =	vld.idx.msk [tilespmem:v3+s20+$0x0], $0xffff  }
0xd8: {  	v5 =	vld.idx.msk [tilespmem:v5+s20+$0x0], $0xffff  }
0xd9: {  	s19 =	sshra.s32 s15, $0x2;
	v4 =	vld.idx.msk [tilespmem:v4+s20+$0x0], $0xffff  }
0xda: {  	v6 =	vld [tilespmem:s19+$0xA140];
	_ =	sdelay $0x1  }
0xdb: {  	v46 =	vmul.f32 v3, v3  }
0xdc: {  	v47 =	vmul.f32 v5, v3;
	v48 =	vmul.f32 v5, v5  }
0xdd: {  	v3 =	vmul.f32 v4, v3;
	v49 =	vmul.f32 v4, v4  }
0xde: {  	v4 =	vmul.f32 v5, v4;
	v50 =	vmul.f32 v48, v6  }
0xdf: {  	v7 =	vmul.f32 v46, v6;
	v3 =	vmul.f32 v3, v6  }
0xe0: {  	v8 =	vmul.f32 v47, v6;
	v4 =	vmul.f32 v4, v6;
	v5 =	vpack.i.f32.bf16 v2, v50  }
0xe1: {  	v51 =	vmov s14;
	v7 =	vpack.i.f32.bf16 v3, v7;
	[tilespmem:s13+$0x0] =	vst v5  }
0xe2: {  	v52 =	vadd.s32 $0x2, v51;
	v6 =	vmul.f32 v49, v6;
	v53 =	vpack.i.f32.bf16 v4, v8;
	[tilespmem:s13+$0xFFFFFFC0] =	vst v7  }
0xe3: {  	v54 =	vadd.s32 $0x1, v51;
	v3 =	vpack.i.f32.bf16 v3, v8;
	[tilespmem:s13+$0xFFFFFFF0] =	vst v53  }
0xe4: {  	[tilespmem:s13+$0xFFFFFFD0] =	vst v3;
	v3 =	vpack.i.f32.bf16 v4, v6  }
0xe5: {  	[tilespmem:s13+$0xFFFFFFE0] =	vst v3  }
0xe6: {  	v3 =	vld.idx.msk [tilespmem:v51+s20+$0x0], $0xffff  }
0xe7: {  	v55 =	vld.idx.msk [tilespmem:v52+s20+$0x0], $0xffff  }
0xe8: {  	s21 =	sshra.s32 s12, $0x2;
	v56 =	vld.idx.msk [tilespmem:v54+s20+$0x0], $0xffff  }
0xe9: {  	v57 =	vld [tilespmem:s21+$0xA140];
	_ =	sdelay $0x1  }
0xea: {  	v58 =	vmul.f32 v3, v3  }
0xeb: {  	v59 =	vmul.f32 v55, v3;
	v60 =	vmul.f32 v55, v55  }
0xec: {  	v3 =	vmul.f32 v56, v3;
	v10 =	vmul.f32 v56, v56  }
0xed: {  	v4 =	vmul.f32 v55, v56;
	v61 =	vmul.f32 v60, v57  }
0xee: {  	v7 =	vmul.f32 v58, v57;
	v3 =	vmul.f32 v3, v57  }
0xef: {  	s30 =	sadd.s32 $0x50, s10;
	s6 =	sadd.s32 $0x1, s6;
	v8 =	vmul.f32 v59, v57;
	v4 =	vmul.f32 v4, v57;
	v5 =	vpack.i.f32.bf16 v2, v61  }
0xf0: {  	p0 =	sne.s32 s6, $0x3E;
	v7 =	vpack.i.f32.bf16 v3, v7;
	[tilespmem:s30+$0x0] =	vst v5  }
.Ltmp3:
0xf1: {  	v62 =	vmul.f32 v10, v57;
	v63 =	vpack.i.f32.bf16 v4, v8;
	[tilespmem:s30+$0xFFFFFFC0] =	vst v7;
	(pc) =	sbr.rel @p0 .LBB2_5-.Ltmp3, $4  }
0xf2: {  	v3 =	vpack.i.f32.bf16 v3, v8;
	[tilespmem:s30+$0xFFFFFFF0] =	vst v63  }
0xf3: {  	[tilespmem:s30+$0xFFFFFFD0] =	vst v3;
	v3 =	vpack.i.f32.bf16 v4, v62  }
0xf4: {  	s8 =	sadd.s32 $0x1E0, s8;
	s31 =	sadd.s32 $0x1E0, s31;
	[tilespmem:s30+$0xFFFFFFE0] =	vst v3  }
0xf5: {  	[spmem:s2] =	stream.indirect.scatter.add.bf16 [tilespmem:s29], [sflag:$0x4], $0x50, s9, s25, $0xb8;
	[tilespmem:$0x1C2A0] =	vst v63  }
0xf6: {  	s0 =	simm.s32 $0x7440;
	_ =	swait.ge [sflag:s24], $0x500  }
0xf7: {  	v3 =	vmov s0;
	[sflag:s24] =	ssyncset.done $0x0  }
0xf8: {  	s7 =	simm.s32 $0x3;
	v4 =	vadd.s32 $0x2, v3;
	[sflag:s24] =	ssyncadd.s32 $0xFFFFFB00  }
0xf9: {  	v5 =	vadd.s32 $0x1, v3;
	_ =	swait.ge [sflag:s7], $0x1900  }
0xfa: {  	[sflag:s7] =	ssyncset.done $0x0  }
0xfb: {  	[sflag:s7] =	ssyncadd.s32 $0xFFFFE700  }
0xfc: {  	v7 =	vld.idx.msk [tilespmem:v3+s20+$0x0], $0xffff  }
0xfd: {  	v6 =	vld.idx.msk [tilespmem:v4+s20+$0x0], $0xffff  }
0xfe: {  	s1 =	simm.s32 $0x9C40;
	v8 =	vld.idx.msk [tilespmem:v5+s20+$0x0], $0xffff  }
0xff: {  	v3 =	vld [tilespmem:s1+$0x0];
	_ =	sdelay $0x1  }
0x100: {  	v10 =	vmul.f32 v7, v7  }
0x101: {  	v4 =	vmul.f32 v6, v6;
	v5 =	vmul.f32 v6, v7  }
0x102: {  	v9 =	vmul.f32 v8, v7;
	v7 =	vmul.f32 v8, v8  }
0x103: {  	s6 =	simm.s32 $0xA660;
	s8 =	simm.s32 $0x7443;
	s0 =	simm.s32 $0xA660;
	v8 =	vmul.f32 v6, v8;
	v6 =	vmul.f32 v10, v3  }
.LBB2_11:
0x104: {  	p0 =	sne.s32 s8, $0x752D;
	v9 =	vmul.f32 v9, v3;
	v5 =	vmul.f32 v5, v3;
	s1 =	sadd.s32 $0x10, s1;
	s6 =	sadd.s32 $0x50, s6  }
0x105: {  	v10 =	vmov s8;
	s8 =	sadd.s32 $0x3, s8;
	v7 =	vmul.f32 v7, v3;
	v8 =	vmul.f32 v8, v3  }
0x106: {  	v11 =	vadd.s32 $0x1, v10;
	v12 =	vadd.s32 $0x2, v10;
	v6 =	vpack.i.f32.bf16 v9, v6  }
0x107: {  	[tilespmem:s0+$0xFFFFFFE0] =	vst v6;
	v6 =	vpack.i.f32.bf16 v9, v5;
	v7 =	vpack.i.f32.bf16 v8, v7;
	v5 =	vpack.i.f32.bf16 v8, v5  }
0x108: {  	v3 =	vmul.f32 v4, v3;
	[tilespmem:s0+$0x0] =	vst v7  }
0x109: {  	[tilespmem:s0+$0x10] =	vst v5  }
0x10a: {  	v3 =	vpack.i.f32.bf16 v2, v3;
	[tilespmem:s0+$0xFFFFFFF0] =	vst v6  }
0x10b: {  	[tilespmem:s0+$0x20] =	vst v3;
	s0 =	smov.u32 s6  }
0x10c: {  	v6 =	vld.idx.msk [tilespmem:v12+s20+$0x0], $0xffff  }
0x10d: {  	v7 =	vld.idx.msk [tilespmem:v10+s20+$0x0], $0xffff  }
0x10e: {  	v8 =	vld.idx.msk [tilespmem:v11+s20+$0x0], $0xffff  }
0x10f: {  	v3 =	vld [tilespmem:s1+$0x0];
	_ =	sdelay $0x1  }
.Ltmp4:
0x110: {  	(pc) =	sbr.rel @p0 .LBB2_11-.Ltmp4, $4  }
0x111: {  	v4 =	vmul.f32 v6, v6  }
0x112: {  	v10 =	vmul.f32 v7, v7;
	v5 =	vmul.f32 v6, v7  }
0x113: {  	v9 =	vmul.f32 v8, v7;
	v7 =	vmul.f32 v8, v8  }
0x114: {  	v8 =	vmul.f32 v6, v8;
	v6 =	vmul.f32 v10, v3  }
0x115: {  	v9 =	vmul.f32 v9, v3  }
0x116: {  	v5 =	vmul.f32 v5, v3  }
0x117: {  	v7 =	vmul.f32 v7, v3;
	v8 =	vmul.f32 v8, v3;
	v6 =	vpack.i.f32.bf16 v9, v6  }
0x118: {  	v63 =	vpack.i.f32.bf16 v9, v5;
	[tilespmem:s0+$0xFFFFFFE0] =	vst v6  }
0x119: {  	v3 =	vmul.f32 v4, v3;
	v61 =	vpack.i.f32.bf16 v8, v7;
	[tilespmem:s0+$0xFFFFFFF0] =	vst v63  }
0x11a: {  	v62 =	vpack.i.f32.bf16 v8, v5;
	[tilespmem:s0+$0x0] =	vst v61  }
0x11b: {  	v2 =	vpack.i.f32.bf16 v2, v3;
	[tilespmem:s0+$0x10] =	vst v62  }
0x11c: {  	s16 =	simm.s32 $0x26C0;
	[tilespmem:s0+$0x20] =	vst v2  }
0x11d: {  	[spmem:s2] =	stream.indirect.scatter.add.bf16 [tilespmem:s26], [sflag:$0x3], $0x50, s16, s25, $0xb8;
	[tilespmem:$0x1C2A0] =	vst v63  }
0x11e: {  	_ =	swait.ge [sflag:s7], $0x1900  }
0x11f: {  	[sflag:s7] =	ssyncset.done $0x0  }
0x120: {  	s6 =	simm.s32 $0x4;
	[sflag:s7] =	ssyncadd.s32 $0xFFFFE700  }
0x121: {  	s19 =	rddreg [dreg:$0x10];
	_ =	swait.ge [sflag:s6], $0x1900  }
0x122: {  	s21 =	stileid.u32;
	s0 =	smul.u32 $0x2710, s19;
	[sflag:s6] =	ssyncset.done $0x0  }
0x123: {  	s8 =	simm.s32 $0x5;
	s1 =	rddreg [dreg:$0x7];
	[sflag:s6] =	ssyncadd.s32 $0xFFFFE700  }
0x124: {  	s18 =	sadd.s32 $0x1, s18;
	s0 =	sadd.s32 s1, s0;
	[bflag:$0x0] =	sbarrier.arrive $0xFFFF  }
0x125: {  	s1 =	sshll.u32 s21, $0x6;
	s0 =	smul.u32 $0xA, s0;
	s30 =	rddreg [dreg:$0x3]  }
0x126: {  	p0 =	sne.s32 s18, $0x4;
	s1 =	sor.u32 $0x1C05, s1;
	s7 =	rddreg [dreg:$0x8]  }
.Ltmp5:
0x127: {  	s0 =	sadd.s32 s30, s0;
	s31 =	sshrl.u32 s7, $0x3;
	(pc) =	sbr.rel @p0 .LBB2_4-.Ltmp5, $4  }
0x128: {  	[hbm:s0], [sflag:s1] =	dma.local [spmem:s31], $0x186A  }
0x129: {  	_ =	swait.ge [sflag:s8], $0x186A  }
0x12a: {  	[sflag:s8] =	ssyncset.done $0x0  }
0x12b: {  	[sflag:s8] =	ssyncadd.s32 $0xFFFFE796  }
0x12c: {  	s1 =	rddreg [dreg:$0xf]  }
0x12d: {  	s0 =	rddreg [dreg:$0xe];
	s1 =	sadd.s32 $0x1, s1  }
0x12e: {  	p0 =	sne.s32 s1, s0  }
.Ltmp6:
0x12f: {  	_ = 	snop;
	(pc) =	sbr.rel @p0 .LBB2_1-.Ltmp6, $1  }
0x130: {  	_ =	sdelay $0x3  }
0x131: {  	_ =	sfence.sel $0x180000  }
0x132: {  	[bflag:$0x0] =	sbarrier.arrive $0xFFFF  }
0x133: {  	_ =	strace $0x9000004A  }
0x134: {  	s0 =	stileid.u32;
	[bflag:$0x2] =	sbarrier.arrive $0xFFFF  }
0x135: {  	p0 =	sne.s32 s0, $0x0;
	s0 =	rddreg [dreg:$0x2]  }
0x136: {  	s0 =	sadd.s32 @!p0 $0x100000, s0  }
0x137: {  	[sflag:s0] =	ssyncadd.tile.s32 @!p0 $0x1;
	_ =	shalt  }
.Lfunc_end2:
_tile_overlayer_lowered:
.L_overlay_start_2:
0x138: {  	(tag) =	ssettag $0x2  }
0x139: {  	s0 =	rddreg [dreg:$0x0];
	s2 =	stileid.u32  }
0x13a: {  	s1 =	rddreg [dreg:$0x1];
	p0 =	sne.s32 s2, $0x0  }
0x13b: {  	s3 =	rddreg [dreg:$0x2];
	[bflag:$0x3] =	sbarrier.arrive $0xFFFF;
	s2 =	simm.s32 @!p0 $0x1C05  }
0x13c: {  	[timem:s3], [sflag:s2] =	dma.local @!p0 [hbm:s0], s1  }
0x13d: {  	s0 =	simm.s32 @!p0 $0x5  }
0x13e: {  	_ =	swait.ge @!p0 [sflag:s0], s1  }
0x13f: {  	s1 =	ssub.s32 @!p0 $0x0, s1;
	[sflag:s0] =	ssyncset.done @!p0 $0x0  }
0x140: {  	[sflag:s0] =	ssyncadd.s32 @!p0 s1  }
0x141: {  	[bflag:$0x3] =	sbarrier.arrive $0xFFFF  }
0x142: {  	_ =	shalt  }

// kernel: sparse-core-data-format-call.cloned.1.call-start
scs
called_computation_lowered:
.L_overlay_start_0:
0x0: {  	s1 =	sld [smem:$0x3FD9]  }
0x1: {  	s2 =	sld [smem:$0x3FFE];
	_ =	sdelay $0x1  }
0x2: {  	s3 =	srdreg.scid  }
0x3: {  	s0 =	sand.u32 $0x1, s3  }
0x4: {  	s17 =	sshll.u32 s0, $0xA;
	s1 =	sadd.s32 s2, s1  }
0x5: {  	s1 =	sadd.s32 s1, s17  }
0x6: {  	[smem:$0x3FC0] =	sst s1  }
0x7: {  	_ = 	snop  }
0x8: {  	(tm) =	ssettm $0x1  }
0x9: {  	s18 =	sld [smem:$0x3FFB];
	_ =	sdelay $0x3  }
0xa: {  	_ =	strace s18  }
0xb: {  	s1 =	sld [smem:$0x3FFC];
	_ =	sdelay $0x3  }
0xc: {  	_ =	strace s1  }
0xd: {  	s1 =	sld [smem:$0x3FFD];
	_ =	sdelay $0x3  }
0xe: {  	_ =	strace s1  }
0xf: {  	_ =	strace $0x8FFFFFFF  }
0x10: {  	s19 =	sld [smem:$0x3FDB];
	_ =	sdelay $0x1  }
0x11: {  	s20 =	simm.s32 $_scs_section_size  }
0x12: {  	s4 =	simm.s32 $_size__tile_overlayer_lowered;
	s5 =	simm.s32 $_tile_overlayer_lowered  }
0x13: {  	s23 =	simm.s32 $0x1BFF;
	s22 =	sshll.u32 s5, $0x1;
	s1 =	sadd.s32 s20, s19  }
0x14: {  	s6 =	simm.s32 $0x0;
	s21 =	sshll.u32 s4, $0x1;
	s4 =	sadd.s32 s22, s1  }
0x15: {  	[timem:s6], [sflag:s23] =	dma.local [hbm:s4], s21  }
0x16: {  	_ =	swait.ge [sflag:s23], s21  }
0x17: {  	s2 =	ssub.s32 $0x0, s21;
	[sflag:s23] =	ssyncset.done $0x0  }
0x18: {  	[sflag:s23] =	ssyncadd.s32 s2;
	_ =	sdelay $0x1  }
0x19: {  	s24 =	simm.s32 $0x1B8B  }
0x1a: {  	_ =	swait.ge [sflag:s24], $0x1  }
0x1b: {  	[sflag:s24] =	ssyncset.done $0x0  }
0x1c: {  	s26 =	simm.s32 $0x1B8E;
	s25 =	sld [smem:$0x3FFE];
	[sflag:s24] =	ssyncadd.s32 $0xFFFFFFFF  }
0x1d: {  	s27 =	simm.s32 $execute0_lowered;
	[smem:$0x3FD2] =	sst s26  }
0x1e: {  	s4 =	sshll.u32 s27, $0x1;
	_ =	strace $0x80000046;
	[dreg:$0x1] =	wrdreg $0xFFFFFFFF  }
0x1f: {  	s28 =	simm.s32 $_size_execute0_lowered;
	s1 =	sadd.s32 s1, s4;
	[dreg:$0x0] =	wrdreg $0x0  }
0x20: {  	s4 =	sshll.u32 s28, $0x1;
	[dreg:$0x2] =	wrdreg s1  }
0x21: {  	[dreg:$0x3] =	wrdreg s4  }
0x22: {  	[dreg:$0x4] =	wrdreg $0xC0  }
0x23: {  	_ =	task [dreg:s6], $0x5FFFF  }
0x24: {  	[dreg:$0x1] =	wrdreg $0xFFFFFFFF  }
0x25: {  	[dreg:$0x0] =	wrdreg $0x60  }
0x26: {  	[dreg:$0x2] =	wrdreg s25  }
0x27: {  	[dreg:$0x3] =	wrdreg $0x9  }
0x28: {  	_ =	task.clear_ibuf [dreg:s6], $0x4FFFF;
	_ =	strace $0x90000046  }
0x29: {  	s29 =	simm.s32 $0x9;
	_ =	strace $0x80000048  }
0x2a: {  	_ =	swait.ge [sflag:s29], $0x1  }
0x2b: {  	[sflag:s29] =	ssyncadd.s32 $0xFFFFFFFF  }
0x2c: {  	_ =	strace $0x90000048  }
0x2d: {  	_ =	sfence  }
0x2e: {  	s30 =	sld [smem:$0x0];
	_ =	sdelay $0x2  }
0x2f: {  	s31 =	sshll.u32 s3, $0xD;
	s3 =	sshrl.u32 s3, $0x2  }
0x30: {  	s2 =	sand.u32 $0x4000, s31;
	s1 =	sadd.s32 s3, s30  }
0x31: {  	s0 =	sor.u32 s2, s0;
	s1 =	sshll.u32 s1, $0x11  }
0x32: {  	s0 =	sor.u32 s1, s0  }
0x33: {  	s0 =	sadd.s32 $0x8F2B, s0  }
0x34: {  	[sflag:s0] =	ssyncadd.remote.s32 $0x1  }
0x35: {  	_ =	sfence.sel $0xFFFF  }
0x36: {  	[dreg:$0x0] =	wrdreg $0xFFFFFFFF;
	(pc) =	sbr.abs _section_cstart, $3  }
0x37: {  	[dreg:$0x1] =	wrdreg $0xFFFFFFFF  }
0x38: {  	_ =	task.clear_ibuf [dreg:s6], $0x2FFFF;
	_ =	strace $0x9FFFFFFF  }
0x39: {  	(tm) =	ssettm $0x7FFFFFFF  }
tec
execute0_lowered:
.L_overlay_start_1:
0x0: {  	(tag) =	ssettag $0x1  }
0x1: {  	s3 =	stileid.u32;
	s0 =	srdreg.scid  }
0x2: {  	s1 =	rddreg [dreg:$0x0];
	_ =	strace $0x80000047;
	s31 =	simm.s32 $0x2  }
0x3: {  	s19 =	simm.s32 $0x0;
	s12 =	simm.s32 $0x80;
	s17 =	simm.s32 $0x0  }
0x4: {  	s18 =	simm.s32 $0x0;
	s14 =	simm.s32 $0x0;
	s16 =	simm.s32 $0x0  }
0x5: {  	s24 =	simm.s32 $0x0;
	s2 =	sshll.u32 s3, $0x7;
	s0 =	sshll.u32 s0, $0xB  }
0x6: {  	s3 =	sshll.u32 s3, $0x2;
	s4 =	sadd.s32 $0x1000, s1;
	s0 =	sor.u32 s2, s0  }
0x7: {  	s5 =	sadd.s32 $0x272000, s1;
	s2 =	sand.u32 $0x4, s3;
	s3 =	sand.u32 $0xF00, s0  }
0x8: {  	s10 =	sadd.s32 $0x9C5000, s1;
	s29 =	ssub.s32 $0x8, s2;
	s6 =	ssub.s32 $0x27100, s3  }
0x9: {  	s7 =	sshrl.u32 s29, $0x3;
	s0 =	sshrl.u32 s29, $0x2;
	s8 =	sand.u32 $0xF00, s6  }
0xa: {  	s0 =	sand.u32 $0x1, s0;
	p0 =	sne.s32 s8, $0x0;
	s8 =	simm.s32 $0x1  }
.Ltmp0:
0xb: {  	s9 =	sshrl.u32 s6, $0xC;
	s8 =	simm.s32 @!p0 $0x0;
	(pc) =	sbr.rel .LBB1_1-.Ltmp0, $4  }
0xc: {  	s6 =	simm.s32 $0x1;
	s0 =	sadd.s32 s7, s0;
	s30 =	sadd.s32 s8, s9  }
0xd: {  	s15 =	smov.u32 s2;
	[sflag:s6] =	ssyncpa.u1 $0x0;
	s7 =	smul.u32 s0, s30  }
0xe: {  	s13 =	smov.u32 s3;
	[sflag:s31] =	ssyncpa.u1 $0x0;
	p0 =	por $0x0, $0x0  }
0xf: {  	s8 =	sadd.s32 $0x4E3000, s1;
	s9 =	sadd.s32 $0x754000, s1;
	s11 =	sadd.s32 $0x1, s7  }
.LBB1_7:
0x10: {  	s0 =	sadd.s32 $0x1000, s13  }
0x11: {  	s1 =	sadd.s32 $0x10, s14;
	s20 =	smov.u32 s14;
	p2 =	sgt.s32 s0, $0x270FF  }
0x12: {  	s20 =	smov.u32 @p2 s1  }
0x13: {  	s17 =	sadd.s32 $0x8, s15;
	s21 =	smov.u32 s15;
	p3 =	sgt.s32 s20, $0xF  }
0x14: {  	s21 =	smov.u32 @p3 s17  }
0x15: {  	s0 =	smov.u32 @p2 s3;
	p2 =	sgt.s32 s21, $0x7  }
0x16: {  	p1 =	slt.u32 s16, $0x2;
	s21 =	smov.u32 @p2 s2;
	p2 =	sne.s32 s16, s11  }
.Ltmp1:
0x17: {  	s1 =	simm.s32 @!p1 $0x2;
	(pc) =	sbr.rel @!p2 .LBB1_8-.Ltmp1, $4  }
0x18: {  	s19 =	smov.u32 s13;
	s18 =	smov.u32 s15;
	_ =	swait.ge @!p1 [sflag:s1], $0x4000  }
0x19: {  	p0 =	por !p0, !p0;
	s13 =	smov.u32 s0;
	[sflag:s1] =	ssyncset.done @!p1 $0x0  }
0x1a: {  	s20 =	simm.s32 @p3 $0x0;
	s17 =	smov.u32 s14;
	[sflag:s1] =	ssyncadd.s32 @!p1 $0xFFFFC000  }
0x1b: {  	s14 =	smov.u32 s20;
	s16 =	sadd.s32 $0x1, s16;
	s15 =	smov.u32 s21  }
.LBB1_1:
0x1c: {  	p1 =	sge.u32 s16, s7  }
0x1d: {  	s0 =	sshrl.u32 @!p1 s14, $0x3  }
0x1e: {  	s1 =	sshll.u32 @!p1 s13, $0x3;
	s0 =	smul.u32 @!p1 $0x138800, s0  }
0x1f: {  	s20 =	sshll.u32 @!p1 s14, $0x7;
	s1 =	sand.u32 @!p1 $0xFFFFFC00, s1  }
0x20: {  	s0 =	sadd.s32 @!p1 s0, s1;
	s1 =	sand.u32 @!p1 $0x380, s20  }
0x21: {  	s20 =	sand.u32 @!p1 $0x7F, s13;
	s0 =	sor.u32 @!p1 s1, s0  }
0x22: {  	s1 =	sor.u32 @!p1 s20, s0  }
0x23: {  	s20 =	smulhi.u32 @!p1 $0xD1B71759, s1  }
0x24: {  	s0 =	smulhi.u32 @!p1 $0xD1B71759, s0  }
0x25: {  	s20 =	sshrl.u32 @!p1 s20, $0x11  }
0x26: {  	s31 =	sadd.s32 $0xFFFFFFFF, s16;
	s0 =	sshrl.u32 @!p1 s0, $0x11;
	s20 =	smul.u32 @!p1 $0x27100, s20  }
0x27: {  	s21 =	sxor.u32 @!p1 $0xFFFFFFFF, s16;
	s22 =	smul.u32 @!p1 $0x4E200, s15;
	s0 =	sand.u32 @!p1 $0xF, s0  }
0x28: {  	s21 =	sshll.u32 @!p1 s21, $0xE;
	s0 =	smul.u32 @!p1 $0x4E20, s0;
	s1 =	ssub.s32 @!p1 s1, s20  }
0x29: {  	s20 =	sand.u32 @!p1 $0x4000, s21;
	s21 =	sadd.s32 @!p1 s4, s22;
	s22 =	sand.u32 @!p1 $0x7, s1  }
0x2a: {  	s1 =	sshrl.u32 @!p1 s1, $0x3;
	s0 =	sadd.s32 @!p1 s0, s21;
	s21 =	sshll.u32 @!p1 s22, $0x12  }
0x2b: {  	s0 =	sadd.s32 @!p1 s1, s0;
	s1 =	sor.u32 @!p1 $0x800, s21;
	s21 =	simm.s32 @!p1 $0x138800  }
0x2c: {  	[tilespmem:s20], [sflag:$0x1] =	stream.strided.gather @!p1 [hbm4b:s0+s1], $0x4000, s21, s1, $0x38;
	[tilespmem:$0x10800] =	vst v63  }
0x2d: {  	p1 =	sge.u32 s31, s7  }
.Ltmp2:
0x2e: {  	_ = 	snop;
	(pc) =	sbr.rel @p1 .LBB1_7-.Ltmp2, $1  }
0x2f: {  	_ =	sdelay $0x3  }
0x30: {  	s0 =	simm.s32 $0x1;
	s1 =	sand.u32 $0x1, s16  }
0x31: {  	s0 =	simm.s32 @!p0 $0x0;
	s20 =	smul.u32 $0x11000, s1  }
0x32: {  	_ =	swait.ge [sflag:s6], $0x4000;
	s0 =	smul.u32 $0x11000, s0  }
0x33: {  	s25 =	simm.s32 $0x0;
	[sflag:s6] =	ssyncset.done $0x0  }
0x34: {  	s23 =	sshll.u32 s1, $0xE;
	s20 =	sshrl.u32 s20, $0x2;
	s0 =	sshrl.u32 s0, $0x2  }
0x35: {  	[sflag:s6] =	ssyncadd.s32 $0xFFFFC000;
	s21 =	sor.u32 $0x8000, s20;
	s22 =	sor.u32 $0x8000, s0  }
.LBB1_3:
0x36: {  	s0 =	sshll.u32 s25, $0xC  }
0x37: {  	s1 =	sadd.s32 s0, s23  }
0x38: {  	v0 =	vmov s1;
	_ =	sdelay $0x2  }
0x39: {  	s26 =	sand.u32 $0x380, s24;
	v1 =	vmov s0;
	s1 =	sand.u32 $0x800, s24  }
0x3a: {  	s27 =	sor.u32 s26, s1  }
0x3b: {  	s0 =	sand.u32 $0xB00, s27;
	v2 =	vld.idx.msk [tilespmem:v0+s27+$0x410 ss:$0x1], $0xffff  }
0x3c: {  	s26 =	sand.u32 $0x80, s24;
	s0 =	sadd.s32 s0, s23;
	v3 =	vld.idx.msk [tilespmem:v0+s27+$0x420 ss:$0x1], $0xffff  }
0x3d: {  	s0 =	sadd.s32 s26, s0;
	v4 =	vld.idx.msk [tilespmem:v0+s27+$0x430 ss:$0x1], $0xffff  }
0x3e: {  	v5 =	vld.idx.msk [tilespmem:v1+s0+$0x400 ss:$0x1], $0xffff  }
0x3f: {  	v6 =	vld.idx.msk [tilespmem:v1+s0+$0x0 ss:$0x1], $0xffff  }
0x40: {  	v7 =	vld.idx.msk [tilespmem:v1+s0+$0x10 ss:$0x1], $0xffff  }
0x41: {  	v11 =	vld.idx.msk [tilespmem:v1+s0+$0x20 ss:$0x1], $0xffff  }
0x42: {  	v12 =	vld.idx.msk [tilespmem:v1+s0+$0x30 ss:$0x1], $0xffff  }
0x43: {  	s26 =	sadd.s32 $0x0, s22;
	v13 =	vld.idx.msk [tilespmem:v1+s0+$0x40 ss:$0x1], $0xffff  }
0x44: {  	v10 =	vld.idx.msk [tilespmem:v1+s0+$0x50 ss:$0x1], $0xffff;
	[tilespmem:s26+$0x880 ss:$0x11] =	vst.msk $0xffff, v5  }
0x45: {  	v9 =	vld.idx.msk [tilespmem:v1+s0+$0x60 ss:$0x1], $0xffff;
	[tilespmem:s26+$0x0 ss:$0x11] =	vst.msk $0xffff, v6  }
0x46: {  	v8 =	vld.idx.msk [tilespmem:v1+s0+$0x70 ss:$0x1], $0xffff;
	[tilespmem:s26+$0x110 ss:$0x11] =	vst.msk $0xffff, v7  }
0x47: {  	[tilespmem:s26+$0x220 ss:$0x11] =	vst.msk $0xffff, v11;
	v5 =	vld.idx.msk [tilespmem:v0+s27+$0x440 ss:$0x1], $0xffff  }
0x48: {  	s28 =	simm.s32 $0x4;
	s29 =	simm.s32 $0x80;
	s30 =	simm.s32 $0x100;
	[tilespmem:s26+$0x330 ss:$0x11] =	vst.msk $0xffff, v12;
	v6 =	vld.idx.msk [tilespmem:v0+s27+$0x450 ss:$0x1], $0xffff  }
0x49: {  	s31 =	simm.s32 $0x8;
	s1 =	sand.u32 $0x800, s30;
	s0 =	sand.u32 $0x380, s29;
	[tilespmem:s26+$0x440 ss:$0x11] =	vst.msk $0xffff, v13;
	v7 =	vld.idx.msk [tilespmem:v0+s27+$0x460 ss:$0x1], $0xffff  }
.LBB1_4:
0x4a: {  	p1 =	sne.s32 s31, $0x3C;
	[tilespmem:s26+$0x550 ss:$0x11] =	vst.msk $0xffff, v10;
	v10 =	vld.idx.msk [tilespmem:v0+s27+$0x470 ss:$0x1], $0xffff;
	s27 =	sor.u32 s0, s1  }
0x4b: {  	s0 =	sand.u32 $0xB00, s27;
	v11 =	vld.idx.msk [tilespmem:v0+s27+$0x410 ss:$0x1], $0xffff;
	[tilespmem:s26+$0x660 ss:$0x11] =	vst.msk $0xffff, v9  }
0x4c: {  	s1 =	sand.u32 $0x80, s29;
	s0 =	sadd.s32 s0, s23;
	v9 =	vld.idx.msk [tilespmem:v0+s27+$0x420 ss:$0x1], $0xffff;
	[tilespmem:s26+$0x770 ss:$0x11] =	vst.msk $0xffff, v8  }
0x4d: {  	s0 =	sadd.s32 s1, s0;
	v8 =	vld.idx.msk [tilespmem:v0+s27+$0x430 ss:$0x1], $0xffff;
	[tilespmem:s26+$0x990 ss:$0x11] =	vst.msk $0xffff, v2  }
0x4e: {  	v12 =	vld.idx.msk [tilespmem:v1+s0+$0x400 ss:$0x1], $0xffff;
	[tilespmem:s26+$0xAA0 ss:$0x11] =	vst.msk $0xffff, v3  }
0x4f: {  	v13 =	vld.idx.msk [tilespmem:v1+s0+$0x0 ss:$0x1], $0xffff;
	[tilespmem:s26+$0xBB0 ss:$0x11] =	vst.msk $0xffff, v4  }
0x50: {  	v14 =	vld.idx.msk [tilespmem:v1+s0+$0x10 ss:$0x1], $0xffff;
	[tilespmem:s26+$0xCC0 ss:$0x11] =	vst.msk $0xffff, v5  }
0x51: {  	v2 =	vmov v11;
	v5 =	vld.idx.msk [tilespmem:v1+s0+$0x20 ss:$0x1], $0xffff;
	[tilespmem:s26+$0xDD0 ss:$0x11] =	vst.msk $0xffff, v6  }
0x52: {  	s1 =	sshra.s32 s28, $0x2;
	s28 =	smov.u32 s31;
	v3 =	vmov v9;
	v6 =	vld.idx.msk [tilespmem:v1+s0+$0x30 ss:$0x1], $0xffff;
	[tilespmem:s26+$0xEE0 ss:$0x11] =	vst.msk $0xffff, v7  }
0x53: {  	v4 =	vmov v8;
	v7 =	vld.idx.msk [tilespmem:v1+s0+$0x40 ss:$0x1], $0xffff;
	[tilespmem:s26+$0xFF0 ss:$0x11] =	vst.msk $0xffff, v10;
	s26 =	sadd.s32 s1, s22  }
0x54: {  	v10 =	vld.idx.msk [tilespmem:v1+s0+$0x50 ss:$0x1], $0xffff;
	[tilespmem:s26+$0x880 ss:$0x11] =	vst.msk $0xffff, v12  }
.Ltmp3:
0x55: {  	[tilespmem:s26+$0x0 ss:$0x11] =	vst.msk $0xffff, v13;
	v9 =	vld.idx.msk [tilespmem:v1+s0+$0x60 ss:$0x1], $0xffff;
	(pc) =	sbr.rel @p1 .LBB1_4-.Ltmp3, $4  }
0x56: {  	[tilespmem:s26+$0x110 ss:$0x11] =	vst.msk $0xffff, v14;
	v8 =	vld.idx.msk [tilespmem:v1+s0+$0x70 ss:$0x1], $0xffff  }
0x57: {  	[tilespmem:s26+$0x220 ss:$0x11] =	vst.msk $0xffff, v5;
	v5 =	vld.idx.msk [tilespmem:v0+s27+$0x440 ss:$0x1], $0xffff  }
0x58: {  	s29 =	sadd.s32 $0x80, s29;
	s30 =	sadd.s32 $0x100, s30;
	[tilespmem:s26+$0x330 ss:$0x11] =	vst.msk $0xffff, v6;
	v6 =	vld.idx.msk [tilespmem:v0+s27+$0x450 ss:$0x1], $0xffff  }
0x59: {  	s31 =	sadd.s32 $0x4, s31;
	s1 =	sand.u32 $0x800, s30;
	s0 =	sand.u32 $0x380, s29;
	[tilespmem:s26+$0x440 ss:$0x11] =	vst.msk $0xffff, v7;
	v7 =	vld.idx.msk [tilespmem:v0+s27+$0x460 ss:$0x1], $0xffff  }
0x5a: {  	[tilespmem:s26+$0x550 ss:$0x11] =	vst.msk $0xffff, v10  }
0x5b: {  	[tilespmem:s26+$0x660 ss:$0x11] =	vst.msk $0xffff, v9  }
0x5c: {  	[tilespmem:s26+$0x990 ss:$0x11] =	vst.msk $0xffff, v2  }
0x5d: {  	[tilespmem:s26+$0xAA0 ss:$0x11] =	vst.msk $0xffff, v3  }
0x5e: {  	s0 =	sor.u32 s0, s1;
	v47 =	vld.idx.msk [tilespmem:v0+s27+$0x470 ss:$0x1], $0xffff;
	[tilespmem:s26+$0xBB0 ss:$0x11] =	vst.msk $0xffff, v4  }
0x5f: {  	[tilespmem:s26+$0x770 ss:$0x11] =	vst.msk $0xffff, v8;
	v57 =	vld.idx.msk [tilespmem:v0+s0+$0x410 ss:$0x1], $0xffff  }
0x60: {  	v58 =	vld.idx.msk [tilespmem:v0+s0+$0x420 ss:$0x1], $0xffff;
	[tilespmem:s26+$0xCC0 ss:$0x11] =	vst.msk $0xffff, v5  }
0x61: {  	v59 =	vld.idx.msk [tilespmem:v0+s0+$0x430 ss:$0x1], $0xffff;
	[tilespmem:s26+$0xDD0 ss:$0x11] =	vst.msk $0xffff, v6  }
0x62: {  	s31 =	sshra.s32 s28, $0x2;
	v60 =	vld.idx.msk [tilespmem:v0+s0+$0x440 ss:$0x1], $0xffff;
	[tilespmem:s26+$0xEE0 ss:$0x11] =	vst.msk $0xffff, v7  }
0x63: {  	s1 =	sand.u32 $0xB00, s0;
	s27 =	sadd.s32 s31, s22;
	v61 =	vld.idx.msk [tilespmem:v0+s0+$0x450 ss:$0x1], $0xffff;
	[tilespmem:s26+$0xFF0 ss:$0x11] =	vst.msk $0xffff, v47  }
0x64: {  	s29 =	sand.u32 $0x80, s29;
	v62 =	vld.idx.msk [tilespmem:v0+s0+$0x460 ss:$0x1], $0xffff;
	s1 =	sadd.s32 s1, s23;
	[tilespmem:s27+$0x990 ss:$0x11] =	vst.msk $0xffff, v57  }
0x65: {  	v63 =	vld.idx.msk [tilespmem:v0+s0+$0x470 ss:$0x1], $0xffff;
	s1 =	sadd.s32 s29, s1;
	[tilespmem:s27+$0xAA0 ss:$0x11] =	vst.msk $0xffff, v58  }
0x66: {  	v48 =	vld.idx.msk [tilespmem:v1+s1+$0x400 ss:$0x1], $0xffff;
	[tilespmem:s27+$0xBB0 ss:$0x11] =	vst.msk $0xffff, v59  }
0x67: {  	v49 =	vld.idx.msk [tilespmem:v1+s1+$0x0 ss:$0x1], $0xffff;
	[tilespmem:s27+$0xCC0 ss:$0x11] =	vst.msk $0xffff, v60  }
0x68: {  	v50 =	vld.idx.msk [tilespmem:v1+s1+$0x10 ss:$0x1], $0xffff;
	[tilespmem:s27+$0xDD0 ss:$0x11] =	vst.msk $0xffff, v61  }
0x69: {  	v51 =	vld.idx.msk [tilespmem:v1+s1+$0x20 ss:$0x1], $0xffff;
	[tilespmem:s27+$0xEE0 ss:$0x11] =	vst.msk $0xffff, v62  }
0x6a: {  	v52 =	vld.idx.msk [tilespmem:v1+s1+$0x30 ss:$0x1], $0xffff;
	[tilespmem:s27+$0xFF0 ss:$0x11] =	vst.msk $0xffff, v63  }
0x6b: {  	v53 =	vld.idx.msk [tilespmem:v1+s1+$0x40 ss:$0x1], $0xffff;
	[tilespmem:s27+$0x880 ss:$0x11] =	vst.msk $0xffff, v48  }
0x6c: {  	v54 =	vld.idx.msk [tilespmem:v1+s1+$0x50 ss:$0x1], $0xffff;
	[tilespmem:s27+$0x0 ss:$0x11] =	vst.msk $0xffff, v49  }
0x6d: {  	s25 =	sadd.s32 $0x1, s25;
	v55 =	vld.idx.msk [tilespmem:v1+s1+$0x60 ss:$0x1], $0xffff;
	[tilespmem:s27+$0x110 ss:$0x11] =	vst.msk $0xffff, v50  }
0x6e: {  	p1 =	sne.s32 s25, $0x4;
	v56 =	vld.idx.msk [tilespmem:v1+s1+$0x70 ss:$0x1], $0xffff;
	[tilespmem:s27+$0x220 ss:$0x11] =	vst.msk $0xffff, v51  }
.Ltmp4:
0x6f: {  	[tilespmem:s27+$0x330 ss:$0x11] =	vst.msk $0xffff, v52;
	(pc) =	sbr.rel @p1 .LBB1_3-.Ltmp4, $4  }
0x70: {  	[tilespmem:s27+$0x440 ss:$0x11] =	vst.msk $0xffff, v53  }
0x71: {  	[tilespmem:s27+$0x550 ss:$0x11] =	vst.msk $0xffff, v54  }
0x72: {  	[tilespmem:s27+$0x660 ss:$0x11] =	vst.msk $0xffff, v55  }
0x73: {  	s22 =	sadd.s32 $0x1100, s22;
	[tilespmem:s27+$0x770 ss:$0x11] =	vst.msk $0xffff, v56  }
0x74: {  	s0 =	sshll.u32 s19, $0x7;
	s1 =	sshll.u32 s17, $0x3  }
0x75: {  	s19 =	sand.u32 $0xFFFFFC00, s0;
	s1 =	sand.u32 $0xFFFFFC00, s1  }
0x76: {  	s0 =	sand.u32 $0x380, s0;
	s1 =	sadd.s32 s1, s19  }
0x77: {  	s0 =	sor.u32 s0, s1  }
0x78: {  	s0 =	sshrl.u32 s0, $0x7  }
0x79: {  	s19 =	smulhi.u32 $0x1A36E2F, s0;
	_ =	sdelay $0x1  }
0x7a: {  	s1 =	sshrl.u32 s19, $0xA  }
0x7b: {  	s1 =	smul.u32 $0x27100, s1;
	_ =	sdelay $0x1  }
0x7c: {  	s22 =	smul.u32 $0x271000, s18;
	s0 =	ssub.s32 s0, s1  }
0x7d: {  	s0 =	sshll.u32 s0, $0x4  }
0x7e: {  	s23 =	sshrl.u32 s17, $0x3;
	s26 =	sand.u32 $0x7, s17;
	s25 =	sadd.s32 s22, s0  }
0x7f: {  	s18 =	sand.u32 $0xF, s23;
	s17 =	sshll.u32 s26, $0x12;
	s19 =	sadd.s32 s5, s25  }
0x80: {  	s17 =	sor.u32 $0x10, s17;
	s27 =	sadd.s32 s22, s8;
	s19 =	sadd.s32 s18, s19  }
0x81: {  	[hbm4b:s19+s17] =	stream.strided.scatter [tilespmem:s21], [sflag:$0x2], $0x1000, s12, s17, $0x8;
	[tilespmem:$0x10800] =	vst v63  }
0x82: {  	s19 =	sadd.s32 s18, s27  }
0x83: {  	s28 =	sadd.s32 $0x9100, s20;
	s29 =	sadd.s32 s22, s9;
	s19 =	sadd.s32 s0, s19  }
0x84: {  	[hbm4b:s19+s17] =	stream.strided.scatter [tilespmem:s28], [sflag:$0x2], $0x1000, s12, s17, $0x8;
	[tilespmem:$0x10800] =	vst v63  }
.Ltmp5:
0x85: {  	s1 =	sadd.s32 s22, s10;
	s19 =	sadd.s32 s18, s29;
	(pc) =	sbr.rel .LBB1_7-.Ltmp5, $4  }
0x86: {  	s30 =	sadd.s32 $0xA200, s20;
	s1 =	sadd.s32 s18, s1;
	s19 =	sadd.s32 s0, s19  }
0x87: {  	[hbm4b:s19+s17] =	stream.strided.scatter [tilespmem:s30], [sflag:$0x2], $0x1000, s12, s17, $0x8;
	[tilespmem:$0x10800] =	vst v63  }
0x88: {  	s31 =	sadd.s32 $0xB300, s20;
	s0 =	sadd.s32 s0, s1  }
0x89: {  	[hbm4b:s0+s17] =	stream.strided.scatter [tilespmem:s31], [sflag:$0x2], $0x1000, s12, s17, $0x8;
	[tilespmem:$0x10800] =	vst v63  }
.LBB1_8:
0x8a: {  	_ =	sfence.sel $0x180000  }
0x8b: {  	s0 =	simm.s32 $0x1;
	[bflag:$0x0] =	sbarrier.arrive $0xFFFF  }
0x8c: {  	s30 =	simm.s32 $0x2;
	[sflag:s0] =	ssyncpa.u1 $0x1  }
0x8d: {  	[sflag:s30] =	ssyncpa.u1 $0x1  }
0x8e: {  	_ =	strace $0x90000047  }
0x8f: {  	s31 =	stileid.u32;
	[bflag:$0x2] =	sbarrier.arrive $0xFFFF  }
0x90: {  	p0 =	sne.s32 s31, $0x0;
	s0 =	rddreg [dreg:$0x1]  }
0x91: {  	s0 =	sadd.s32 @!p0 $0x100000, s0  }
0x92: {  	[sflag:s0] =	ssyncadd.tile.s32 @!p0 $0x1;
	_ =	shalt  }
.Lfunc_end1:
_tile_overlayer_lowered:
.L_overlay_start_2:
0x93: {  	(tag) =	ssettag $0x2  }
0x94: {  	s0 =	rddreg [dreg:$0x0];
	s2 =	stileid.u32  }
0x95: {  	s1 =	rddreg [dreg:$0x1];
	p0 =	sne.s32 s2, $0x0  }
0x96: {  	s3 =	rddreg [dreg:$0x2];
	[bflag:$0x3] =	sbarrier.arrive $0xFFFF;
	s2 =	simm.s32 @!p0 $0x1C01  }
0x97: {  	[timem:s3], [sflag:s2] =	dma.local @!p0 [hbm:s0], s1  }
0x98: {  	s0 =	simm.s32 @!p0 $0x1  }
0x99: {  	_ =	swait.ge @!p0 [sflag:s0], s1  }
0x9a: {  	s1 =	ssub.s32 @!p0 $0x0, s1;
	[sflag:s0] =	ssyncset.done @!p0 $0x0  }
0x9b: {  	[sflag:s0] =	ssyncadd.s32 @!p0 s1  }
0x9c: {  	[bflag:$0x3] =	sbarrier.arrive $0xFFFF  }
0x9d: {  	_ =	shalt  }

</sc_bundles>
